<compile_context>
chip_gen: v7x
topology: tpu7x:2x2x1
jax: 0.10.2.dev20260603
libtpu: 0.0.44.dev20260713+nightly
codegen_flags: <defaults>
</compile_context>

<pallas_src>
import functools

import jax
import jax.numpy as jnp
from jax import lax
from jax.experimental import pallas as pl
from jax.experimental.pallas import tpu as pltpu
from jax.experimental.pallas import tpu_sc as plsc

B = 16384
D = 128
S = 8
P = 16
L = 16
NC = 2
NS = 16
NW = NC * NS
BPW = B // NW
G = 2
NCHUNK = 2
CS = BPW // NCHUNK


def _sc_body(feat_hbm, stages_hbm, protos_hbm, out_hbm,
             protos_v, means_v, stg_v, feat_v,
             pr_sem, st_sem, in_sem0, in_sem1, in_sem2, in_sem3, out_sem0, out_sem1, out_sem2, out_sem3):
    wid = lax.axis_index("s") * NC + lax.axis_index("c")
    base = wid * BPW
    in_sems = (in_sem0, in_sem1, in_sem2, in_sem3)
    out_sems = (out_sem0, out_sem1, out_sem2, out_sem3)

    pr_copy = pltpu.async_copy(protos_hbm, protos_v, pr_sem)
    st_copy = pltpu.async_copy(stages_hbm.at[pl.ds(base, BPW)],
                               stg_v.at[pl.ds(0, BPW)], st_sem)
    in_copies = [
        pltpu.async_copy(feat_hbm.at[pl.ds(base + c * CS, CS)],
                         feat_v.at[pl.ds(c * CS, CS)], in_sems[c])
        for c in range(NCHUNK)
    ]
    pr_copy.wait()

    scale = 0.5 / P

    @plsc.parallel_loop(0, S * (D // L))
    def _(sj):
        s = sj // (D // L)
        j = sj % (D // L)
        acc = protos_v[s, 0, pl.ds(j * L, L)]
        for p in range(1, P):
            acc = acc + protos_v[s, p, pl.ds(j * L, L)]
        means_v[pl.ds(s * D + j * L, L)] = acc * scale

    st_copy.wait()

    out_copies = [None] * NCHUNK
    for c in range(NCHUNK):
        in_copies[c].wait()

        @plsc.parallel_loop(0, CS // G)
        def _(g):
            i0 = c * CS + g * G
            stv = stg_v[pl.ds(i0, L)]
            for k in range(G):
                i = i0 + k
                st_off = stv[k] * D
                for j in range(D // L):
                    m = means_v[pl.ds(st_off + j * L, L)]
                    f = feat_v[i, pl.ds(j * L, L)]
                    feat_v[i, pl.ds(j * L, L)] = f + m

        out_copies[c] = pltpu.async_copy(
            feat_v.at[pl.ds(c * CS, CS)],
            out_hbm.at[pl.ds(base + c * CS, CS)], out_sems[c])

    for c in range(NCHUNK):
        out_copies[c].wait()


def kernel(features, class_ids, stages, shared_protos):
    del class_ids
    stages_i32 = stages.astype(jnp.int32)
    mesh = plsc.VectorSubcoreMesh(core_axis_name="c", subcore_axis_name="s")
    k = functools.partial(
        pl.kernel,
        mesh=mesh,
        out_type=jax.ShapeDtypeStruct((B, D), jnp.float32),
        scratch_types=[
            pltpu.VMEM((S, P, D), jnp.float32),
            pltpu.VMEM((S * D,), jnp.float32),
            pltpu.VMEM((BPW + L,), jnp.int32),
            pltpu.VMEM((BPW, D), jnp.float32),
            pltpu.SemaphoreType.DMA,
            pltpu.SemaphoreType.DMA,
            pltpu.SemaphoreType.DMA,
            pltpu.SemaphoreType.DMA,
            pltpu.SemaphoreType.DMA,
            pltpu.SemaphoreType.DMA,
            pltpu.SemaphoreType.DMA,
            pltpu.SemaphoreType.DMA,
            pltpu.SemaphoreType.DMA,
            pltpu.SemaphoreType.DMA,
        ],
    )(_sc_body)
    return k(features, stages_i32, shared_protos)

# --- scband reference (transcript-rebuilt; emitter-appended) ---
"""Pipeline reference for scband-insect-aware-proto-pool-1700807049514 (READ-ONLY COPY).

The authoritative reference and input builder live on the scoring server;
editing this copy changes nothing except your own understanding.
"""

import jax, jax.numpy as jnp
import numpy as np

B = 16384
D = 128
MAX_STAGES = 8
SHARED_PER_STAGE = 16
NUM_CLASSES = 1000


def setup_inputs(seed: int = 0) -> dict:
    key = jax.random.key(seed)
    k1, k2, k3, k4 = jax.random.split(key, 4)
    features = jax.random.normal(k1, (B, D), dtype=jnp.float32)
    class_ids = jax.random.randint(k2, (B,), 0, NUM_CLASSES, dtype=jnp.int64 if jax.config.jax_enable_x64 else jnp.int32)
    stages = jax.random.randint(k3, (B,), 0, MAX_STAGES, dtype=jnp.int64 if jax.config.jax_enable_x64 else jnp.int32)
    # learned shared stage prototypes: one [shared_proto_per_stage, embed_dim] block per stage
    shared_protos = jax.random.normal(k4, (MAX_STAGES, SHARED_PER_STAGE, D), dtype=jnp.float32)
    return {"features": features, "class_ids": class_ids, "stages": stages, "shared_protos": shared_protos}


def reference(features, class_ids, stages, shared_protos):
    # Faithful translation of InsectAwareProtoPool.forward at initial state:
    # no class prototypes have been registered via init_prototype/update_prototype,
    # so _get_class_proto returns a zero vector for every sample.
    class_proto = jnp.zeros_like(features)  # [B, D]
    # _get_shared_stage_proto: mean over the shared prototypes of the sample's stage
    shared_means = jnp.mean(shared_protos, axis=1)  # [max_stages, D]
    shared_proto = jnp.take(shared_means, stages, axis=0)  # gather per-sample [B, D]
    enhanced = features + 0.5 * (class_proto + shared_proto)
    return enhanced

if __name__ == "__main__":
    import jax
    _d = setup_inputs()
    print(jax.jit(kernel)(*tuple(_d.values())))

</pallas_src>

<mosaic_0001>
#map = affine_map<(d0, d1) -> (0, 0)>
#map1 = affine_map<(d0, d1) -> (0)>
#map2 = affine_map<(d0, d1) -> (0, 0, 0)>
module attributes {stable_mosaic.version = 14 : i64} {
  func.func @_sc_body(%arg0: i32, %arg1: i32, %arg2: memref<16384x128xf32, #tpu.memory_space<hbm>>, %arg3: memref<16384xi32, #tpu.memory_space<hbm>>, %arg4: memref<8x16x128xf32, #tpu.memory_space<hbm>>, %arg5: memref<16384x128xf32, #tpu.memory_space<hbm>>, %arg6: memref<8x16x128xf32, #tpu.memory_space<vmem>>, %arg7: memref<1024xf32, #tpu.memory_space<vmem>>, %arg8: memref<528xi32, #tpu.memory_space<vmem>>, %arg9: memref<512x128xf32, #tpu.memory_space<vmem>>, %arg10: memref<!tpu.dma_semaphore, #tpu.memory_space<semaphore_mem>>, %arg11: memref<!tpu.dma_semaphore, #tpu.memory_space<semaphore_mem>>, %arg12: memref<!tpu.dma_semaphore, #tpu.memory_space<semaphore_mem>>, %arg13: memref<!tpu.dma_semaphore, #tpu.memory_space<semaphore_mem>>, %arg14: memref<!tpu.dma_semaphore, #tpu.memory_space<semaphore_mem>>, %arg15: memref<!tpu.dma_semaphore, #tpu.memory_space<semaphore_mem>>, %arg16: memref<!tpu.dma_semaphore, #tpu.memory_space<semaphore_mem>>, %arg17: memref<!tpu.dma_semaphore, #tpu.memory_space<semaphore_mem>>, %arg18: memref<!tpu.dma_semaphore, #tpu.memory_space<semaphore_mem>>, %arg19: memref<!tpu.dma_semaphore, #tpu.memory_space<semaphore_mem>>) attributes {dimension_semantics = [#tpu.dimension_semantics<core_parallel>, #tpu.dimension_semantics<subcore_parallel>], iteration_bounds = array<i64: 2, 16>, scalar_prefetch = 0 : i64, scratch_operands = 14 : i64, tpu.core_type = #tpu.core_type<sc_vector_subcore>, window_params = [{transform_indices = #map}, {transform_indices = #map1}, {transform_indices = #map2}, {transform_indices = #map}]} {
    %mul3A = arith.constant 2 : i32
    %mul3A_0 = arith.muli %arg1, %mul3A : i32
    %add3A = arith.addi %mul3A_0, %arg0 : i32
    %mul3A_1 = arith.constant 512 : i32
    %mul3A_2 = arith.muli %add3A, %mul3A_1 : i32
    tpu.enqueue_dma source(%arg4 : memref<8x16x128xf32, #tpu.memory_space<hbm>>) target(%arg6 : memref<8x16x128xf32, #tpu.memory_space<vmem>>) target_semaphore(%arg10 : memref<!tpu.dma_semaphore, #tpu.memory_space<semaphore_mem>>)
    %dma_start3A = arith.constant 0 : i32
    %dma_start3A_3 = tpu.memref_slice %arg8[%dma_start3A] : memref<528xi32, #tpu.memory_space<vmem>> -> memref<512xi32, #tpu.memory_space<vmem>>
    %dma_start3A_4 = tpu.memref_slice %arg3[%mul3A_2] : memref<16384xi32, #tpu.memory_space<hbm>> -> memref<512xi32, #tpu.memory_space<hbm>>
    %dma_start3A_5 = arith.constant 0 : i32
    %dma_start3A_6 = tpu.memref_slice %arg8[%dma_start3A_5] : memref<528xi32, #tpu.memory_space<vmem>> -> memref<512xi32, #tpu.memory_space<vmem>>
    %dma_start3A_7 = tpu.memref_slice %arg3[%mul3A_2] : memref<16384xi32, #tpu.memory_space<hbm>> -> memref<512xi32, #tpu.memory_space<hbm>>
    tpu.enqueue_dma source(%dma_start3A_7 : memref<512xi32, #tpu.memory_space<hbm>>) target(%dma_start3A_6 : memref<512xi32, #tpu.memory_space<vmem>>) target_semaphore(%arg11 : memref<!tpu.dma_semaphore, #tpu.memory_space<semaphore_mem>>)
    %add3A_8 = arith.constant 0 : i32
    %add3A_9 = arith.addi %mul3A_2, %add3A_8 : i32
    %dma_start3A_10 = arith.constant 0 : i32
    %dma_start3A_11 = arith.constant 0 : i32
    %dma_start3A_12 = tpu.memref_slice %arg9[%dma_start3A_10, %dma_start3A_11] : memref<512x128xf32, #tpu.memory_space<vmem>> -> memref<256x128xf32, #tpu.memory_space<vmem>>
    %dma_start3A_13 = arith.constant 0 : i32
    %dma_start3A_14 = tpu.memref_slice %arg2[%add3A_9, %dma_start3A_13] : memref<16384x128xf32, #tpu.memory_space<hbm>> -> memref<256x128xf32, #tpu.memory_space<hbm>>
    %dma_start3A_15 = arith.constant 0 : i32
    %dma_start3A_16 = arith.constant 0 : i32
    %dma_start3A_17 = tpu.memref_slice %arg9[%dma_start3A_15, %dma_start3A_16] : memref<512x128xf32, #tpu.memory_space<vmem>> -> memref<256x128xf32, #tpu.memory_space<vmem>>
    %dma_start3A_18 = arith.constant 0 : i32
    %dma_start3A_19 = tpu.memref_slice %arg2[%add3A_9, %dma_start3A_18] : memref<16384x128xf32, #tpu.memory_space<hbm>> -> memref<256x128xf32, #tpu.memory_space<hbm>>
    tpu.enqueue_dma source(%dma_start3A_19 : memref<256x128xf32, #tpu.memory_space<hbm>>) target(%dma_start3A_17 : memref<256x128xf32, #tpu.memory_space<vmem>>) target_semaphore(%arg12 : memref<!tpu.dma_semaphore, #tpu.memory_space<semaphore_mem>>)
    %add3A_20 = arith.constant 256 : i32
    %add3A_21 = arith.addi %mul3A_2, %add3A_20 : i32
    %dma_start3A_22 = arith.constant 256 : i32
    %dma_start3A_23 = arith.constant 0 : i32
    %dma_start3A_24 = tpu.memref_slice %arg9[%dma_start3A_22, %dma_start3A_23] : memref<512x128xf32, #tpu.memory_space<vmem>> -> memref<256x128xf32, #tpu.memory_space<vmem>>
    %dma_start3A_25 = arith.constant 0 : i32
    %dma_start3A_26 = tpu.memref_slice %arg2[%add3A_21, %dma_start3A_25] : memref<16384x128xf32, #tpu.memory_space<hbm>> -> memref<256x128xf32, #tpu.memory_space<hbm>>
    %dma_start3A_27 = arith.constant 256 : i32
    %dma_start3A_28 = arith.constant 0 : i32
    %dma_start3A_29 = tpu.memref_slice %arg9[%dma_start3A_27, %dma_start3A_28] : memref<512x128xf32, #tpu.memory_space<vmem>> -> memref<256x128xf32, #tpu.memory_space<vmem>>
    %dma_start3A_30 = arith.constant 0 : i32
    %dma_start3A_31 = tpu.memref_slice %arg2[%add3A_21, %dma_start3A_30] : memref<16384x128xf32, #tpu.memory_space<hbm>> -> memref<256x128xf32, #tpu.memory_space<hbm>>
    tpu.enqueue_dma source(%dma_start3A_31 : memref<256x128xf32, #tpu.memory_space<hbm>>) target(%dma_start3A_29 : memref<256x128xf32, #tpu.memory_space<vmem>>) target_semaphore(%arg13 : memref<!tpu.dma_semaphore, #tpu.memory_space<semaphore_mem>>)
    tpu.wait_dma2 semaphore(%arg10 : memref<!tpu.dma_semaphore, #tpu.memory_space<semaphore_mem>>) src(%arg4 : memref<8x16x128xf32, #tpu.memory_space<hbm>>) dst(%arg6 : memref<8x16x128xf32, #tpu.memory_space<vmem>>)
    %parallel_loop3A = arith.constant 0 : i32
    %parallel_loop3A_32 = arith.constant 64 : i32
    %parallel_loop3A_33 = arith.constant 1 : i32
    scf.for %parallel_loop3A_109 = %parallel_loop3A to %parallel_loop3A_32 step %parallel_loop3A_33  : i32 {
      %parallel_loop3A_110 = arith.constant 8 : i32
      %parallel_loop3A_111 = arith.divsi %parallel_loop3A_109, %parallel_loop3A_110 : i32
      %parallel_loop3A_112 = arith.constant 0 : i32
      %parallel_loop3A_113 = arith.cmpi sgt, %parallel_loop3A_109, %parallel_loop3A_112 : i32
      %parallel_loop3A_114 = arith.extui %parallel_loop3A_113 : i1 to i32
      %parallel_loop3A_115 = arith.constant 0 : i32
      %parallel_loop3A_116 = arith.cmpi slt, %parallel_loop3A_109, %parallel_loop3A_115 : i32
      %parallel_loop3A_117 = arith.extui %parallel_loop3A_116 : i1 to i32
      %parallel_loop3A_118 = arith.subi %parallel_loop3A_114, %parallel_loop3A_117 : i32
      %parallel_loop3A_119 = arith.constant 0 : i32
      %parallel_loop3A_120 = arith.cmpi sgt, %parallel_loop3A_110, %parallel_loop3A_119 : i32
      %parallel_loop3A_121 = arith.extui %parallel_loop3A_120 : i1 to i32
      %parallel_loop3A_122 = arith.constant 0 : i32
      %parallel_loop3A_123 = arith.cmpi slt, %parallel_loop3A_110, %parallel_loop3A_122 : i32
      %parallel_loop3A_124 = arith.extui %parallel_loop3A_123 : i1 to i32
      %parallel_loop3A_125 = arith.subi %parallel_loop3A_121, %parallel_loop3A_124 : i32
      %parallel_loop3A_126 = arith.cmpi ne, %parallel_loop3A_118, %parallel_loop3A_125 : i32
      %parallel_loop3A_127 = arith.remsi %parallel_loop3A_109, %parallel_loop3A_110 : i32
      %parallel_loop3A_128 = arith.constant 0 : i32
      %parallel_loop3A_129 = arith.cmpi ne, %parallel_loop3A_127, %parallel_loop3A_128 : i32
      %parallel_loop3A_130 = arith.andi %parallel_loop3A_126, %parallel_loop3A_129 : i1
      %parallel_loop3A_131 = arith.constant 1 : i32
      %parallel_loop3A_132 = arith.subi %parallel_loop3A_111, %parallel_loop3A_131 : i32
      %parallel_loop3A_133 = arith.select %parallel_loop3A_130, %parallel_loop3A_132, %parallel_loop3A_111 : i32
      %parallel_loop3A_134 = arith.constant 8 : i32
      %parallel_loop3A_135 = arith.constant 0 : i32
      %parallel_loop3A_136 = arith.cmpi eq, %parallel_loop3A_134, %parallel_loop3A_135 : i32
      %parallel_loop3A_137 = arith.constant 1 : i32
      %parallel_loop3A_138 = arith.select %parallel_loop3A_136, %parallel_loop3A_137, %parallel_loop3A_134 : i32
      %parallel_loop3A_139 = arith.remsi %parallel_loop3A_109, %parallel_loop3A_138 : i32
      %parallel_loop3A_140 = arith.constant 0 : i32
      %parallel_loop3A_141 = arith.cmpi ne, %parallel_loop3A_139, %parallel_loop3A_140 : i32
      %parallel_loop3A_142 = arith.constant 0 : i32
      %parallel_loop3A_143 = arith.cmpi slt, %parallel_loop3A_139, %parallel_loop3A_142 : i32
      %parallel_loop3A_144 = arith.constant 0 : i32
      %parallel_loop3A_145 = arith.cmpi slt, %parallel_loop3A_138, %parallel_loop3A_144 : i32
      %parallel_loop3A_146 = arith.xori %parallel_loop3A_143, %parallel_loop3A_145 : i1
      %parallel_loop3A_147 = arith.andi %parallel_loop3A_146, %parallel_loop3A_141 : i1
      %parallel_loop3A_148 = arith.addi %parallel_loop3A_139, %parallel_loop3A_138 : i32
      %parallel_loop3A_149 = arith.select %parallel_loop3A_147, %parallel_loop3A_148, %parallel_loop3A_139 : i32
      %parallel_loop3A_150 = arith.constant 16 : i32
      %parallel_loop3A_151 = arith.muli %parallel_loop3A_149, %parallel_loop3A_150 : i32
      %parallel_loop3A_152 = arith.constant 0 : i32
      %parallel_loop3A_153 = arith.index_cast %parallel_loop3A_133 : i32 to index
      %parallel_loop3A_154 = arith.index_cast %parallel_loop3A_152 : i32 to index
      %parallel_loop3A_155 = arith.index_cast %parallel_loop3A_151 : i32 to index
      %parallel_loop3A_156 = tpu.vector_load %arg6[%parallel_loop3A_153, %parallel_loop3A_154, %parallel_loop3A_155] {strides = array<i32>} : memref<8x16x128xf32, #tpu.memory_space<vmem>>, vector<1x1x16xf32>,
      %parallel_loop3A_157 = vector.shape_cast %parallel_loop3A_156 : vector<1x1x16xf32> to vector<16xf32>
      %parallel_loop3A_158 = arith.constant 16 : i32
      %parallel_loop3A_159 = arith.muli %parallel_loop3A_149, %parallel_loop3A_158 : i32
      %parallel_loop3A_160 = arith.constant 1 : i32
      %parallel_loop3A_161 = arith.index_cast %parallel_loop3A_133 : i32 to index
      %parallel_loop3A_162 = arith.index_cast %parallel_loop3A_160 : i32 to index
      %parallel_loop3A_163 = arith.index_cast %parallel_loop3A_159 : i32 to index
      %parallel_loop3A_164 = tpu.vector_load %arg6[%parallel_loop3A_161, %parallel_loop3A_162, %parallel_loop3A_163] {strides = array<i32>} : memref<8x16x128xf32, #tpu.memory_space<vmem>>, vector<1x1x16xf32>,
      %parallel_loop3A_165 = vector.shape_cast %parallel_loop3A_164 : vector<1x1x16xf32> to vector<16xf32>
      %parallel_loop3A_166 = arith.addf %parallel_loop3A_157, %parallel_loop3A_165 : vector<16xf32>
      %parallel_loop3A_167 = arith.constant 16 : i32
      %parallel_loop3A_168 = arith.muli %parallel_loop3A_149, %parallel_loop3A_167 : i32
      %parallel_loop3A_169 = arith.constant 2 : i32
      %parallel_loop3A_170 = arith.index_cast %parallel_loop3A_133 : i32 to index
      %parallel_loop3A_171 = arith.index_cast %parallel_loop3A_169 : i32 to index
      %parallel_loop3A_172 = arith.index_cast %parallel_loop3A_168 : i32 to index
      %parallel_loop3A_173 = tpu.vector_load %arg6[%parallel_loop3A_170, %parallel_loop3A_171, %parallel_loop3A_172] {strides = array<i32>} : memref<8x16x128xf32, #tpu.memory_space<vmem>>, vector<1x1x16xf32>,
      %parallel_loop3A_174 = vector.shape_cast %parallel_loop3A_173 : vector<1x1x16xf32> to vector<16xf32>
      %parallel_loop3A_175 = arith.addf %parallel_loop3A_166, %parallel_loop3A_174 : vector<16xf32>
      %parallel_loop3A_176 = arith.constant 16 : i32
      %parallel_loop3A_177 = arith.muli %parallel_loop3A_149, %parallel_loop3A_176 : i32
      %parallel_loop3A_178 = arith.constant 3 : i32
      %parallel_loop3A_179 = arith.index_cast %parallel_loop3A_133 : i32 to index
      %parallel_loop3A_180 = arith.index_cast %parallel_loop3A_178 : i32 to index
      %parallel_loop3A_181 = arith.index_cast %parallel_loop3A_177 : i32 to index
      %parallel_loop3A_182 = tpu.vector_load %arg6[%parallel_loop3A_179, %parallel_loop3A_180, %parallel_loop3A_181] {strides = array<i32>} : memref<8x16x128xf32, #tpu.memory_space<vmem>>, vector<1x1x16xf32>,
      %parallel_loop3A_183 = vector.shape_cast %parallel_loop3A_182 : vector<1x1x16xf32> to vector<16xf32>
      %parallel_loop3A_184 = arith.addf %parallel_loop3A_175, %parallel_loop3A_183 : vector<16xf32>
      %parallel_loop3A_185 = arith.constant 16 : i32
      %parallel_loop3A_186 = arith.muli %parallel_loop3A_149, %parallel_loop3A_185 : i32
      %parallel_loop3A_187 = arith.constant 4 : i32
      %parallel_loop3A_188 = arith.index_cast %parallel_loop3A_133 : i32 to index
      %parallel_loop3A_189 = arith.index_cast %parallel_loop3A_187 : i32 to index
      %parallel_loop3A_190 = arith.index_cast %parallel_loop3A_186 : i32 to index
      %parallel_loop3A_191 = tpu.vector_load %arg6[%parallel_loop3A_188, %parallel_loop3A_189, %parallel_loop3A_190] {strides = array<i32>} : memref<8x16x128xf32, #tpu.memory_space<vmem>>, vector<1x1x16xf32>,
      %parallel_loop3A_192 = vector.shape_cast %parallel_loop3A_191 : vector<1x1x16xf32> to vector<16xf32>
      %parallel_loop3A_193 = arith.addf %parallel_loop3A_184, %parallel_loop3A_192 : vector<16xf32>
      %parallel_loop3A_194 = arith.constant 16 : i32
      %parallel_loop3A_195 = arith.muli %parallel_loop3A_149, %parallel_loop3A_194 : i32
      %parallel_loop3A_196 = arith.constant 5 : i32
      %parallel_loop3A_197 = arith.index_cast %parallel_loop3A_133 : i32 to index
      %parallel_loop3A_198 = arith.index_cast %parallel_loop3A_196 : i32 to index
      %parallel_loop3A_199 = arith.index_cast %parallel_loop3A_195 : i32 to index
      %parallel_loop3A_200 = tpu.vector_load %arg6[%parallel_loop3A_197, %parallel_loop3A_198, %parallel_loop3A_199] {strides = array<i32>} : memref<8x16x128xf32, #tpu.memory_space<vmem>>, vector<1x1x16xf32>,
      %parallel_loop3A_201 = vector.shape_cast %parallel_loop3A_200 : vector<1x1x16xf32> to vector<16xf32>
      %parallel_loop3A_202 = arith.addf %parallel_loop3A_193, %parallel_loop3A_201 : vector<16xf32>
      %parallel_loop3A_203 = arith.constant 16 : i32
      %parallel_loop3A_204 = arith.muli %parallel_loop3A_149, %parallel_loop3A_203 : i32
      %parallel_loop3A_205 = arith.constant 6 : i32
      %parallel_loop3A_206 = arith.index_cast %parallel_loop3A_133 : i32 to index
      %parallel_loop3A_207 = arith.index_cast %parallel_loop3A_205 : i32 to index
      %parallel_loop3A_208 = arith.index_cast %parallel_loop3A_204 : i32 to index
      %parallel_loop3A_209 = tpu.vector_load %arg6[%parallel_loop3A_206, %parallel_loop3A_207, %parallel_loop3A_208] {strides = array<i32>} : memref<8x16x128xf32, #tpu.memory_space<vmem>>, vector<1x1x16xf32>,
      %parallel_loop3A_210 = vector.shape_cast %parallel_loop3A_209 : vector<1x1x16xf32> to vector<16xf32>
      %parallel_loop3A_211 = arith.addf %parallel_loop3A_202, %parallel_loop3A_210 : vector<16xf32>
      %parallel_loop3A_212 = arith.constant 16 : i32
      %parallel_loop3A_213 = arith.muli %parallel_loop3A_149, %parallel_loop3A_212 : i32
      %parallel_loop3A_214 = arith.constant 7 : i32
      %parallel_loop3A_215 = arith.index_cast %parallel_loop3A_133 : i32 to index
      %parallel_loop3A_216 = arith.index_cast %parallel_loop3A_214 : i32 to index
      %parallel_loop3A_217 = arith.index_cast %parallel_loop3A_213 : i32 to index
      %parallel_loop3A_218 = tpu.vector_load %arg6[%parallel_loop3A_215, %parallel_loop3A_216, %parallel_loop3A_217] {strides = array<i32>} : memref<8x16x128xf32, #tpu.memory_space<vmem>>, vector<1x1x16xf32>,
      %parallel_loop3A_219 = vector.shape_cast %parallel_loop3A_218 : vector<1x1x16xf32> to vector<16xf32>
      %parallel_loop3A_220 = arith.addf %parallel_loop3A_211, %parallel_loop3A_219 : vector<16xf32>
      %parallel_loop3A_221 = arith.constant 16 : i32
      %parallel_loop3A_222 = arith.muli %parallel_loop3A_149, %parallel_loop3A_221 : i32
      %parallel_loop3A_223 = arith.constant 8 : i32
      %parallel_loop3A_224 = arith.index_cast %parallel_loop3A_133 : i32 to index
      %parallel_loop3A_225 = arith.index_cast %parallel_loop3A_223 : i32 to index
      %parallel_loop3A_226 = arith.index_cast %parallel_loop3A_222 : i32 to index
      %parallel_loop3A_227 = tpu.vector_load %arg6[%parallel_loop3A_224, %parallel_loop3A_225, %parallel_loop3A_226] {strides = array<i32>} : memref<8x16x128xf32, #tpu.memory_space<vmem>>, vector<1x1x16xf32>,
      %parallel_loop3A_228 = vector.shape_cast %parallel_loop3A_227 : vector<1x1x16xf32> to vector<16xf32>
      %parallel_loop3A_229 = arith.addf %parallel_loop3A_220, %parallel_loop3A_228 : vector<16xf32>
      %parallel_loop3A_230 = arith.constant 16 : i32
      %parallel_loop3A_231 = arith.muli %parallel_loop3A_149, %parallel_loop3A_230 : i32
      %parallel_loop3A_232 = arith.constant 9 : i32
      %parallel_loop3A_233 = arith.index_cast %parallel_loop3A_133 : i32 to index
      %parallel_loop3A_234 = arith.index_cast %parallel_loop3A_232 : i32 to index
      %parallel_loop3A_235 = arith.index_cast %parallel_loop3A_231 : i32 to index
      %parallel_loop3A_236 = tpu.vector_load %arg6[%parallel_loop3A_233, %parallel_loop3A_234, %parallel_loop3A_235] {strides = array<i32>} : memref<8x16x128xf32, #tpu.memory_space<vmem>>, vector<1x1x16xf32>,
      %parallel_loop3A_237 = vector.shape_cast %parallel_loop3A_236 : vector<1x1x16xf32> to vector<16xf32>
      %parallel_loop3A_238 = arith.addf %parallel_loop3A_229, %parallel_loop3A_237 : vector<16xf32>
      %parallel_loop3A_239 = arith.constant 16 : i32
      %parallel_loop3A_240 = arith.muli %parallel_loop3A_149, %parallel_loop3A_239 : i32
      %parallel_loop3A_241 = arith.constant 10 : i32
      %parallel_loop3A_242 = arith.index_cast %parallel_loop3A_133 : i32 to index
      %parallel_loop3A_243 = arith.index_cast %parallel_loop3A_241 : i32 to index
      %parallel_loop3A_244 = arith.index_cast %parallel_loop3A_240 : i32 to index
      %parallel_loop3A_245 = tpu.vector_load %arg6[%parallel_loop3A_242, %parallel_loop3A_243, %parallel_loop3A_244] {strides = array<i32>} : memref<8x16x128xf32, #tpu.memory_space<vmem>>, vector<1x1x16xf32>,
      %parallel_loop3A_246 = vector.shape_cast %parallel_loop3A_245 : vector<1x1x16xf32> to vector<16xf32>
      %parallel_loop3A_247 = arith.addf %parallel_loop3A_238, %parallel_loop3A_246 : vector<16xf32>
      %parallel_loop3A_248 = arith.constant 16 : i32
      %parallel_loop3A_249 = arith.muli %parallel_loop3A_149, %parallel_loop3A_248 : i32
      %parallel_loop3A_250 = arith.constant 11 : i32
      %parallel_loop3A_251 = arith.index_cast %parallel_loop3A_133 : i32 to index
      %parallel_loop3A_252 = arith.index_cast %parallel_loop3A_250 : i32 to index
      %parallel_loop3A_253 = arith.index_cast %parallel_loop3A_249 : i32 to index
      %parallel_loop3A_254 = tpu.vector_load %arg6[%parallel_loop3A_251, %parallel_loop3A_252, %parallel_loop3A_253] {strides = array<i32>} : memref<8x16x128xf32, #tpu.memory_space<vmem>>, vector<1x1x16xf32>,
      %parallel_loop3A_255 = vector.shape_cast %parallel_loop3A_254 : vector<1x1x16xf32> to vector<16xf32>
      %parallel_loop3A_256 = arith.addf %parallel_loop3A_247, %parallel_loop3A_255 : vector<16xf32>
      %parallel_loop3A_257 = arith.constant 16 : i32
      %parallel_loop3A_258 = arith.muli %parallel_loop3A_149, %parallel_loop3A_257 : i32
      %parallel_loop3A_259 = arith.constant 12 : i32
      %parallel_loop3A_260 = arith.index_cast %parallel_loop3A_133 : i32 to index
      %parallel_loop3A_261 = arith.index_cast %parallel_loop3A_259 : i32 to index
      %parallel_loop3A_262 = arith.index_cast %parallel_loop3A_258 : i32 to index
      %parallel_loop3A_263 = tpu.vector_load %arg6[%parallel_loop3A_260, %parallel_loop3A_261, %parallel_loop3A_262] {strides = array<i32>} : memref<8x16x128xf32, #tpu.memory_space<vmem>>, vector<1x1x16xf32>,
      %parallel_loop3A_264 = vector.shape_cast %parallel_loop3A_263 : vector<1x1x16xf32> to vector<16xf32>
      %parallel_loop3A_265 = arith.addf %parallel_loop3A_256, %parallel_loop3A_264 : vector<16xf32>
      %parallel_loop3A_266 = arith.constant 16 : i32
      %parallel_loop3A_267 = arith.muli %parallel_loop3A_149, %parallel_loop3A_266 : i32
      %parallel_loop3A_268 = arith.constant 13 : i32
      %parallel_loop3A_269 = arith.index_cast %parallel_loop3A_133 : i32 to index
      %parallel_loop3A_270 = arith.index_cast %parallel_loop3A_268 : i32 to index
      %parallel_loop3A_271 = arith.index_cast %parallel_loop3A_267 : i32 to index
      %parallel_loop3A_272 = tpu.vector_load %arg6[%parallel_loop3A_269, %parallel_loop3A_270, %parallel_loop3A_271] {strides = array<i32>} : memref<8x16x128xf32, #tpu.memory_space<vmem>>, vector<1x1x16xf32>,
      %parallel_loop3A_273 = vector.shape_cast %parallel_loop3A_272 : vector<1x1x16xf32> to vector<16xf32>
      %parallel_loop3A_274 = arith.addf %parallel_loop3A_265, %parallel_loop3A_273 : vector<16xf32>
      %parallel_loop3A_275 = arith.constant 16 : i32
      %parallel_loop3A_276 = arith.muli %parallel_loop3A_149, %parallel_loop3A_275 : i32
      %parallel_loop3A_277 = arith.constant 14 : i32
      %parallel_loop3A_278 = arith.index_cast %parallel_loop3A_133 : i32 to index
      %parallel_loop3A_279 = arith.index_cast %parallel_loop3A_277 : i32 to index
      %parallel_loop3A_280 = arith.index_cast %parallel_loop3A_276 : i32 to index
      %parallel_loop3A_281 = tpu.vector_load %arg6[%parallel_loop3A_278, %parallel_loop3A_279, %parallel_loop3A_280] {strides = array<i32>} : memref<8x16x128xf32, #tpu.memory_space<vmem>>, vector<1x1x16xf32>,
      %parallel_loop3A_282 = vector.shape_cast %parallel_loop3A_281 : vector<1x1x16xf32> to vector<16xf32>
      %parallel_loop3A_283 = arith.addf %parallel_loop3A_274, %parallel_loop3A_282 : vector<16xf32>
      %parallel_loop3A_284 = arith.constant 16 : i32
      %parallel_loop3A_285 = arith.muli %parallel_loop3A_149, %parallel_loop3A_284 : i32
      %parallel_loop3A_286 = arith.constant 15 : i32
      %parallel_loop3A_287 = arith.index_cast %parallel_loop3A_133 : i32 to index
      %parallel_loop3A_288 = arith.index_cast %parallel_loop3A_286 : i32 to index
      %parallel_loop3A_289 = arith.index_cast %parallel_loop3A_285 : i32 to index
      %parallel_loop3A_290 = tpu.vector_load %arg6[%parallel_loop3A_287, %parallel_loop3A_288, %parallel_loop3A_289] {strides = array<i32>} : memref<8x16x128xf32, #tpu.memory_space<vmem>>, vector<1x1x16xf32>,
      %parallel_loop3A_291 = vector.shape_cast %parallel_loop3A_290 : vector<1x1x16xf32> to vector<16xf32>
      %parallel_loop3A_292 = arith.addf %parallel_loop3A_283, %parallel_loop3A_291 : vector<16xf32>
      %parallel_loop3A_293 = arith.constant 3.125000e-02 : f32
      %parallel_loop3A_294 = vector.broadcast %parallel_loop3A_293 : f32 to vector<16xf32>
      %parallel_loop3A_295 = arith.mulf %parallel_loop3A_292, %parallel_loop3A_294 : vector<16xf32>
      %parallel_loop3A_296 = arith.constant 128 : i32
      %parallel_loop3A_297 = arith.muli %parallel_loop3A_133, %parallel_loop3A_296 : i32
      %parallel_loop3A_298 = arith.constant 16 : i32
      %parallel_loop3A_299 = arith.muli %parallel_loop3A_149, %parallel_loop3A_298 : i32
      %parallel_loop3A_300 = arith.addi %parallel_loop3A_297, %parallel_loop3A_299 : i32
      %parallel_loop3A_301 = arith.index_cast %parallel_loop3A_300 : i32 to index
      %parallel_loop3A_302 = tpu.vector_load %arg7[%parallel_loop3A_301] {strides = array<i32>} : memref<1024xf32, #tpu.memory_space<vmem>>, vector<16xf32>,
      %parallel_loop3A_303 = vector.shape_cast %parallel_loop3A_302 : vector<16xf32> to vector<16xf32>
      %parallel_loop3A_304 = vector.shape_cast %parallel_loop3A_295 : vector<16xf32> to vector<16xf32>
      tpu.vector_store %arg7[%parallel_loop3A_301], %parallel_loop3A_304 {strides = array<i32>} : memref<1024xf32, #tpu.memory_space<vmem>>, vector<16xf32>,
    } {sc.loop_unroll_factor = 1 : i64, sc.parallel_access}
    %dma_wait3A = arith.constant 0 : i32
    %dma_wait3A_34 = tpu.memref_slice %arg8[%dma_wait3A] : memref<528xi32, #tpu.memory_space<vmem>> -> memref<512xi32, #tpu.memory_space<vmem>>
    %dma_wait3A_35 = tpu.memref_slice %arg3[%mul3A_2] : memref<16384xi32, #tpu.memory_space<hbm>> -> memref<512xi32, #tpu.memory_space<hbm>>
    %dma_wait3A_36 = arith.constant 0 : i32
    %dma_wait3A_37 = tpu.memref_slice %arg8[%dma_wait3A_36] : memref<528xi32, #tpu.memory_space<vmem>> -> memref<512xi32, #tpu.memory_space<vmem>>
    %dma_wait3A_38 = tpu.memref_slice %arg3[%mul3A_2] : memref<16384xi32, #tpu.memory_space<hbm>> -> memref<512xi32, #tpu.memory_space<hbm>>
    tpu.wait_dma2 semaphore(%arg11 : memref<!tpu.dma_semaphore, #tpu.memory_space<semaphore_mem>>) src(%dma_wait3A_38 : memref<512xi32, #tpu.memory_space<hbm>>) dst(%dma_wait3A_37 : memref<512xi32, #tpu.memory_space<vmem>>)
    %dma_wait3A_39 = arith.constant 0 : i32
    %dma_wait3A_40 = arith.constant 0 : i32
    %dma_wait3A_41 = tpu.memref_slice %arg9[%dma_wait3A_39, %dma_wait3A_40] : memref<512x128xf32, #tpu.memory_space<vmem>> -> memref<256x128xf32, #tpu.memory_space<vmem>>
    %dma_wait3A_42 = arith.constant 0 : i32
    %dma_wait3A_43 = tpu.memref_slice %arg2[%add3A_9, %dma_wait3A_42] : memref<16384x128xf32, #tpu.memory_space<hbm>> -> memref<256x128xf32, #tpu.memory_space<hbm>>
    %dma_wait3A_44 = arith.constant 0 : i32
    %dma_wait3A_45 = arith.constant 0 : i32
    %dma_wait3A_46 = tpu.memref_slice %arg9[%dma_wait3A_44, %dma_wait3A_45] : memref<512x128xf32, #tpu.memory_space<vmem>> -> memref<256x128xf32, #tpu.memory_space<vmem>>
    %dma_wait3A_47 = arith.constant 0 : i32
    %dma_wait3A_48 = tpu.memref_slice %arg2[%add3A_9, %dma_wait3A_47] : memref<16384x128xf32, #tpu.memory_space<hbm>> -> memref<256x128xf32, #tpu.memory_space<hbm>>
    tpu.wait_dma2 semaphore(%arg12 : memref<!tpu.dma_semaphore, #tpu.memory_space<semaphore_mem>>) src(%dma_wait3A_48 : memref<256x128xf32, #tpu.memory_space<hbm>>) dst(%dma_wait3A_46 : memref<256x128xf32, #tpu.memory_space<vmem>>)
    %parallel_loop3A_49 = arith.constant 0 : i32
    %parallel_loop3A_50 = arith.constant 128 : i32
    %parallel_loop3A_51 = arith.constant 1 : i32
    scf.for %parallel_loop3A_109 = %parallel_loop3A_49 to %parallel_loop3A_50 step %parallel_loop3A_51  : i32 {
      %parallel_loop3A_110 = arith.constant 2 : i32
      %parallel_loop3A_111 = arith.muli %parallel_loop3A_109, %parallel_loop3A_110 : i32
      %parallel_loop3A_112 = arith.constant 0 : i32
      %parallel_loop3A_113 = arith.addi %parallel_loop3A_112, %parallel_loop3A_111 : i32
      %parallel_loop3A_114 = arith.index_cast %parallel_loop3A_113 : i32 to index
      %parallel_loop3A_115 = tpu.vector_load %arg8[%parallel_loop3A_114] {strides = array<i32>} : memref<528xi32, #tpu.memory_space<vmem>>, vector<16xi32>,
      %parallel_loop3A_116 = vector.shape_cast %parallel_loop3A_115 : vector<16xi32> to vector<16xi32>
      %parallel_loop3A_117 = arith.constant 0 : i32
      %parallel_loop3A_118 = arith.addi %parallel_loop3A_113, %parallel_loop3A_117 : i32
      %parallel_loop3A_119 = vector.extract_strided_slice %parallel_loop3A_116 {offsets = [0], sizes = [1], strides = [1]} : vector<16xi32> to vector<1xi32>
      %parallel_loop3A_120 = vector.extract %parallel_loop3A_119[0] : i32 from vector<1xi32>
      %parallel_loop3A_121 = arith.constant 128 : i32
      %parallel_loop3A_122 = arith.muli %parallel_loop3A_120, %parallel_loop3A_121 : i32
      %parallel_loop3A_123 = arith.constant 0 : i32
      %parallel_loop3A_124 = arith.addi %parallel_loop3A_122, %parallel_loop3A_123 : i32
      %parallel_loop3A_125 = arith.index_cast %parallel_loop3A_124 : i32 to index
      %parallel_loop3A_126 = tpu.vector_load %arg7[%parallel_loop3A_125] {strides = array<i32>} : memref<1024xf32, #tpu.memory_space<vmem>>, vector<16xf32>,
      %parallel_loop3A_127 = vector.shape_cast %parallel_loop3A_126 : vector<16xf32> to vector<16xf32>
      %parallel_loop3A_128 = arith.index_cast %parallel_loop3A_118 : i32 to index
      %parallel_loop3A_129 = arith.constant 0 : index
      %parallel_loop3A_130 = tpu.vector_load %arg9[%parallel_loop3A_128, %parallel_loop3A_129] {strides = array<i32>} : memref<512x128xf32, #tpu.memory_space<vmem>>, vector<1x16xf32>,
      %parallel_loop3A_131 = vector.shape_cast %parallel_loop3A_130 : vector<1x16xf32> to vector<16xf32>
      %parallel_loop3A_132 = arith.addf %parallel_loop3A_131, %parallel_loop3A_127 : vector<16xf32>
      %parallel_loop3A_133 = arith.index_cast %parallel_loop3A_118 : i32 to index
      %parallel_loop3A_134 = arith.constant 0 : index
      %parallel_loop3A_135 = tpu.vector_load %arg9[%parallel_loop3A_133, %parallel_loop3A_134] {strides = array<i32>} : memref<512x128xf32, #tpu.memory_space<vmem>>, vector<1x16xf32>,
      %parallel_loop3A_136 = vector.shape_cast %parallel_loop3A_135 : vector<1x16xf32> to vector<16xf32>
      %parallel_loop3A_137 = vector.shape_cast %parallel_loop3A_132 : vector<16xf32> to vector<1x16xf32>
      tpu.vector_store %arg9[%parallel_loop3A_133, %parallel_loop3A_134], %parallel_loop3A_137 {strides = array<i32>} : memref<512x128xf32, #tpu.memory_space<vmem>>, vector<1x16xf32>,
      %parallel_loop3A_138 = arith.constant 16 : i32
      %parallel_loop3A_139 = arith.addi %parallel_loop3A_122, %parallel_loop3A_138 : i32
      %parallel_loop3A_140 = arith.index_cast %parallel_loop3A_139 : i32 to index
      %parallel_loop3A_141 = tpu.vector_load %arg7[%parallel_loop3A_140] {strides = array<i32>} : memref<1024xf32, #tpu.memory_space<vmem>>, vector<16xf32>,
      %parallel_loop3A_142 = vector.shape_cast %parallel_loop3A_141 : vector<16xf32> to vector<16xf32>
      %parallel_loop3A_143 = arith.index_cast %parallel_loop3A_118 : i32 to index
      %parallel_loop3A_144 = arith.constant 16 : index
      %parallel_loop3A_145 = tpu.vector_load %arg9[%parallel_loop3A_143, %parallel_loop3A_144] {strides = array<i32>} : memref<512x128xf32, #tpu.memory_space<vmem>>, vector<1x16xf32>,
      %parallel_loop3A_146 = vector.shape_cast %parallel_loop3A_145 : vector<1x16xf32> to vector<16xf32>
      %parallel_loop3A_147 = arith.addf %parallel_loop3A_146, %parallel_loop3A_142 : vector<16xf32>
      %parallel_loop3A_148 = arith.index_cast %parallel_loop3A_118 : i32 to index
      %parallel_loop3A_149 = arith.constant 16 : index
      %parallel_loop3A_150 = tpu.vector_load %arg9[%parallel_loop3A_148, %parallel_loop3A_149] {strides = array<i32>} : memref<512x128xf32, #tpu.memory_space<vmem>>, vector<1x16xf32>,
      %parallel_loop3A_151 = vector.shape_cast %parallel_loop3A_150 : vector<1x16xf32> to vector<16xf32>
      %parallel_loop3A_152 = vector.shape_cast %parallel_loop3A_147 : vector<16xf32> to vector<1x16xf32>
      tpu.vector_store %arg9[%parallel_loop3A_148, %parallel_loop3A_149], %parallel_loop3A_152 {strides = array<i32>} : memref<512x128xf32, #tpu.memory_space<vmem>>, vector<1x16xf32>,
      %parallel_loop3A_153 = arith.constant 32 : i32
      %parallel_loop3A_154 = arith.addi %parallel_loop3A_122, %parallel_loop3A_153 : i32
      %parallel_loop3A_155 = arith.index_cast %parallel_loop3A_154 : i32 to index
      %parallel_loop3A_156 = tpu.vector_load %arg7[%parallel_loop3A_155] {strides = array<i32>} : memref<1024xf32, #tpu.memory_space<vmem>>, vector<16xf32>,
      %parallel_loop3A_157 = vector.shape_cast %parallel_loop3A_156 : vector<16xf32> to vector<16xf32>
      %parallel_loop3A_158 = arith.index_cast %parallel_loop3A_118 : i32 to index
      %parallel_loop3A_159 = arith.constant 32 : index
      %parallel_loop3A_160 = tpu.vector_load %arg9[%parallel_loop3A_158, %parallel_loop3A_159] {strides = array<i32>} : memref<512x128xf32, #tpu.memory_space<vmem>>, vector<1x16xf32>,
      %parallel_loop3A_161 = vector.shape_cast %parallel_loop3A_160 : vector<1x16xf32> to vector<16xf32>
      %parallel_loop3A_162 = arith.addf %parallel_loop3A_161, %parallel_loop3A_157 : vector<16xf32>
      %parallel_loop3A_163 = arith.index_cast %parallel_loop3A_118 : i32 to index
      %parallel_loop3A_164 = arith.constant 32 : index
      %parallel_loop3A_165 = tpu.vector_load %arg9[%parallel_loop3A_163, %parallel_loop3A_164] {strides = array<i32>} : memref<512x128xf32, #tpu.memory_space<vmem>>, vector<1x16xf32>,
      %parallel_loop3A_166 = vector.shape_cast %parallel_loop3A_165 : vector<1x16xf32> to vector<16xf32>
      %parallel_loop3A_167 = vector.shape_cast %parallel_loop3A_162 : vector<16xf32> to vector<1x16xf32>
      tpu.vector_store %arg9[%parallel_loop3A_163, %parallel_loop3A_164], %parallel_loop3A_167 {strides = array<i32>} : memref<512x128xf32, #tpu.memory_space<vmem>>, vector<1x16xf32>,
      %parallel_loop3A_168 = arith.constant 48 : i32
      %parallel_loop3A_169 = arith.addi %parallel_loop3A_122, %parallel_loop3A_168 : i32
      %parallel_loop3A_170 = arith.index_cast %parallel_loop3A_169 : i32 to index
      %parallel_loop3A_171 = tpu.vector_load %arg7[%parallel_loop3A_170] {strides = array<i32>} : memref<1024xf32, #tpu.memory_space<vmem>>, vector<16xf32>,
      %parallel_loop3A_172 = vector.shape_cast %parallel_loop3A_171 : vector<16xf32> to vector<16xf32>
      %parallel_loop3A_173 = arith.index_cast %parallel_loop3A_118 : i32 to index
      %parallel_loop3A_174 = arith.constant 48 : index
      %parallel_loop3A_175 = tpu.vector_load %arg9[%parallel_loop3A_173, %parallel_loop3A_174] {strides = array<i32>} : memref<512x128xf32, #tpu.memory_space<vmem>>, vector<1x16xf32>,
      %parallel_loop3A_176 = vector.shape_cast %parallel_loop3A_175 : vector<1x16xf32> to vector<16xf32>
      %parallel_loop3A_177 = arith.addf %parallel_loop3A_176, %parallel_loop3A_172 : vector<16xf32>
      %parallel_loop3A_178 = arith.index_cast %parallel_loop3A_118 : i32 to index
      %parallel_loop3A_179 = arith.constant 48 : index
      %parallel_loop3A_180 = tpu.vector_load %arg9[%parallel_loop3A_178, %parallel_loop3A_179] {strides = array<i32>} : memref<512x128xf32, #tpu.memory_space<vmem>>, vector<1x16xf32>,
      %parallel_loop3A_181 = vector.shape_cast %parallel_loop3A_180 : vector<1x16xf32> to vector<16xf32>
      %parallel_loop3A_182 = vector.shape_cast %parallel_loop3A_177 : vector<16xf32> to vector<1x16xf32>
      tpu.vector_store %arg9[%parallel_loop3A_178, %parallel_loop3A_179], %parallel_loop3A_182 {strides = array<i32>} : memref<512x128xf32, #tpu.memory_space<vmem>>, vector<1x16xf32>,
      %parallel_loop3A_183 = arith.constant 64 : i32
      %parallel_loop3A_184 = arith.addi %parallel_loop3A_122, %parallel_loop3A_183 : i32
      %parallel_loop3A_185 = arith.index_cast %parallel_loop3A_184 : i32 to index
      %parallel_loop3A_186 = tpu.vector_load %arg7[%parallel_loop3A_185] {strides = array<i32>} : memref<1024xf32, #tpu.memory_space<vmem>>, vector<16xf32>,
      %parallel_loop3A_187 = vector.shape_cast %parallel_loop3A_186 : vector<16xf32> to vector<16xf32>
      %parallel_loop3A_188 = arith.index_cast %parallel_loop3A_118 : i32 to index
      %parallel_loop3A_189 = arith.constant 64 : index
      %parallel_loop3A_190 = tpu.vector_load %arg9[%parallel_loop3A_188, %parallel_loop3A_189] {strides = array<i32>} : memref<512x128xf32, #tpu.memory_space<vmem>>, vector<1x16xf32>,
      %parallel_loop3A_191 = vector.shape_cast %parallel_loop3A_190 : vector<1x16xf32> to vector<16xf32>
      %parallel_loop3A_192 = arith.addf %parallel_loop3A_191, %parallel_loop3A_187 : vector<16xf32>
      %parallel_loop3A_193 = arith.index_cast %parallel_loop3A_118 : i32 to index
      %parallel_loop3A_194 = arith.constant 64 : index
      %parallel_loop3A_195 = tpu.vector_load %arg9[%parallel_loop3A_193, %parallel_loop3A_194] {strides = array<i32>} : memref<512x128xf32, #tpu.memory_space<vmem>>, vector<1x16xf32>,
      %parallel_loop3A_196 = vector.shape_cast %parallel_loop3A_195 : vector<1x16xf32> to vector<16xf32>
      %parallel_loop3A_197 = vector.shape_cast %parallel_loop3A_192 : vector<16xf32> to vector<1x16xf32>
      tpu.vector_store %arg9[%parallel_loop3A_193, %parallel_loop3A_194], %parallel_loop3A_197 {strides = array<i32>} : memref<512x128xf32, #tpu.memory_space<vmem>>, vector<1x16xf32>,
      %parallel_loop3A_198 = arith.constant 80 : i32
      %parallel_loop3A_199 = arith.addi %parallel_loop3A_122, %parallel_loop3A_198 : i32
      %parallel_loop3A_200 = arith.index_cast %parallel_loop3A_199 : i32 to index
      %parallel_loop3A_201 = tpu.vector_load %arg7[%parallel_loop3A_200] {strides = array<i32>} : memref<1024xf32, #tpu.memory_space<vmem>>, vector<16xf32>,
      %parallel_loop3A_202 = vector.shape_cast %parallel_loop3A_201 : vector<16xf32> to vector<16xf32>
      %parallel_loop3A_203 = arith.index_cast %parallel_loop3A_118 : i32 to index
      %parallel_loop3A_204 = arith.constant 80 : index
      %parallel_loop3A_205 = tpu.vector_load %arg9[%parallel_loop3A_203, %parallel_loop3A_204] {strides = array<i32>} : memref<512x128xf32, #tpu.memory_space<vmem>>, vector<1x16xf32>,
      %parallel_loop3A_206 = vector.shape_cast %parallel_loop3A_205 : vector<1x16xf32> to vector<16xf32>
      %parallel_loop3A_207 = arith.addf %parallel_loop3A_206, %parallel_loop3A_202 : vector<16xf32>
      %parallel_loop3A_208 = arith.index_cast %parallel_loop3A_118 : i32 to index
      %parallel_loop3A_209 = arith.constant 80 : index
      %parallel_loop3A_210 = tpu.vector_load %arg9[%parallel_loop3A_208, %parallel_loop3A_209] {strides = array<i32>} : memref<512x128xf32, #tpu.memory_space<vmem>>, vector<1x16xf32>,
      %parallel_loop3A_211 = vector.shape_cast %parallel_loop3A_210 : vector<1x16xf32> to vector<16xf32>
      %parallel_loop3A_212 = vector.shape_cast %parallel_loop3A_207 : vector<16xf32> to vector<1x16xf32>
      tpu.vector_store %arg9[%parallel_loop3A_208, %parallel_loop3A_209], %parallel_loop3A_212 {strides = array<i32>} : memref<512x128xf32, #tpu.memory_space<vmem>>, vector<1x16xf32>,
      %parallel_loop3A_213 = arith.constant 96 : i32
      %parallel_loop3A_214 = arith.addi %parallel_loop3A_122, %parallel_loop3A_213 : i32
      %parallel_loop3A_215 = arith.index_cast %parallel_loop3A_214 : i32 to index
      %parallel_loop3A_216 = tpu.vector_load %arg7[%parallel_loop3A_215] {strides = array<i32>} : memref<1024xf32, #tpu.memory_space<vmem>>, vector<16xf32>,
      %parallel_loop3A_217 = vector.shape_cast %parallel_loop3A_216 : vector<16xf32> to vector<16xf32>
      %parallel_loop3A_218 = arith.index_cast %parallel_loop3A_118 : i32 to index
      %parallel_loop3A_219 = arith.constant 96 : index
      %parallel_loop3A_220 = tpu.vector_load %arg9[%parallel_loop3A_218, %parallel_loop3A_219] {strides = array<i32>} : memref<512x128xf32, #tpu.memory_space<vmem>>, vector<1x16xf32>,
      %parallel_loop3A_221 = vector.shape_cast %parallel_loop3A_220 : vector<1x16xf32> to vector<16xf32>
      %parallel_loop3A_222 = arith.addf %parallel_loop3A_221, %parallel_loop3A_217 : vector<16xf32>
      %parallel_loop3A_223 = arith.index_cast %parallel_loop3A_118 : i32 to index
      %parallel_loop3A_224 = arith.constant 96 : index
      %parallel_loop3A_225 = tpu.vector_load %arg9[%parallel_loop3A_223, %parallel_loop3A_224] {strides = array<i32>} : memref<512x128xf32, #tpu.memory_space<vmem>>, vector<1x16xf32>,
      %parallel_loop3A_226 = vector.shape_cast %parallel_loop3A_225 : vector<1x16xf32> to vector<16xf32>
      %parallel_loop3A_227 = vector.shape_cast %parallel_loop3A_222 : vector<16xf32> to vector<1x16xf32>
      tpu.vector_store %arg9[%parallel_loop3A_223, %parallel_loop3A_224], %parallel_loop3A_227 {strides = array<i32>} : memref<512x128xf32, #tpu.memory_space<vmem>>, vector<1x16xf32>,
      %parallel_loop3A_228 = arith.constant 112 : i32
      %parallel_loop3A_229 = arith.addi %parallel_loop3A_122, %parallel_loop3A_228 : i32
      %parallel_loop3A_230 = arith.index_cast %parallel_loop3A_229 : i32 to index
      %parallel_loop3A_231 = tpu.vector_load %arg7[%parallel_loop3A_230] {strides = array<i32>} : memref<1024xf32, #tpu.memory_space<vmem>>, vector<16xf32>,
      %parallel_loop3A_232 = vector.shape_cast %parallel_loop3A_231 : vector<16xf32> to vector<16xf32>
      %parallel_loop3A_233 = arith.index_cast %parallel_loop3A_118 : i32 to index
      %parallel_loop3A_234 = arith.constant 112 : index
      %parallel_loop3A_235 = tpu.vector_load %arg9[%parallel_loop3A_233, %parallel_loop3A_234] {strides = array<i32>} : memref<512x128xf32, #tpu.memory_space<vmem>>, vector<1x16xf32>,
      %parallel_loop3A_236 = vector.shape_cast %parallel_loop3A_235 : vector<1x16xf32> to vector<16xf32>
      %parallel_loop3A_237 = arith.addf %parallel_loop3A_236, %parallel_loop3A_232 : vector<16xf32>
      %parallel_loop3A_238 = arith.index_cast %parallel_loop3A_118 : i32 to index
      %parallel_loop3A_239 = arith.constant 112 : index
      %parallel_loop3A_240 = tpu.vector_load %arg9[%parallel_loop3A_238, %parallel_loop3A_239] {strides = array<i32>} : memref<512x128xf32, #tpu.memory_space<vmem>>, vector<1x16xf32>,
      %parallel_loop3A_241 = vector.shape_cast %parallel_loop3A_240 : vector<1x16xf32> to vector<16xf32>
      %parallel_loop3A_242 = vector.shape_cast %parallel_loop3A_237 : vector<16xf32> to vector<1x16xf32>
      tpu.vector_store %arg9[%parallel_loop3A_238, %parallel_loop3A_239], %parallel_loop3A_242 {strides = array<i32>} : memref<512x128xf32, #tpu.memory_space<vmem>>, vector<1x16xf32>,
      %parallel_loop3A_243 = arith.constant 1 : i32
      %parallel_loop3A_244 = arith.addi %parallel_loop3A_113, %parallel_loop3A_243 : i32
      %parallel_loop3A_245 = vector.extract_strided_slice %parallel_loop3A_116 {offsets = [1], sizes = [1], strides = [1]} : vector<16xi32> to vector<1xi32>
      %parallel_loop3A_246 = vector.extract %parallel_loop3A_245[0] : i32 from vector<1xi32>
      %parallel_loop3A_247 = arith.constant 128 : i32
      %parallel_loop3A_248 = arith.muli %parallel_loop3A_246, %parallel_loop3A_247 : i32
      %parallel_loop3A_249 = arith.constant 0 : i32
      %parallel_loop3A_250 = arith.addi %parallel_loop3A_248, %parallel_loop3A_249 : i32
      %parallel_loop3A_251 = arith.index_cast %parallel_loop3A_250 : i32 to index
      %parallel_loop3A_252 = tpu.vector_load %arg7[%parallel_loop3A_251] {strides = array<i32>} : memref<1024xf32, #tpu.memory_space<vmem>>, vector<16xf32>,
      %parallel_loop3A_253 = vector.shape_cast %parallel_loop3A_252 : vector<16xf32> to vector<16xf32>
      %parallel_loop3A_254 = arith.index_cast %parallel_loop3A_244 : i32 to index
      %parallel_loop3A_255 = arith.constant 0 : index
      %parallel_loop3A_256 = tpu.vector_load %arg9[%parallel_loop3A_254, %parallel_loop3A_255] {strides = array<i32>} : memref<512x128xf32, #tpu.memory_space<vmem>>, vector<1x16xf32>,
      %parallel_loop3A_257 = vector.shape_cast %parallel_loop3A_256 : vector<1x16xf32> to vector<16xf32>
      %parallel_loop3A_258 = arith.addf %parallel_loop3A_257, %parallel_loop3A_253 : vector<16xf32>
      %parallel_loop3A_259 = arith.index_cast %parallel_loop3A_244 : i32 to index
      %parallel_loop3A_260 = arith.constant 0 : index
      %parallel_loop3A_261 = tpu.vector_load %arg9[%parallel_loop3A_259, %parallel_loop3A_260] {strides = array<i32>} : memref<512x128xf32, #tpu.memory_space<vmem>>, vector<1x16xf32>,
      %parallel_loop3A_262 = vector.shape_cast %parallel_loop3A_261 : vector<1x16xf32> to vector<16xf32>
      %parallel_loop3A_263 = vector.shape_cast %parallel_loop3A_258 : vector<16xf32> to vector<1x16xf32>
      tpu.vector_store %arg9[%parallel_loop3A_259, %parallel_loop3A_260], %parallel_loop3A_263 {strides = array<i32>} : memref<512x128xf32, #tpu.memory_space<vmem>>, vector<1x16xf32>,
      %parallel_loop3A_264 = arith.constant 16 : i32
      %parallel_loop3A_265 = arith.addi %parallel_loop3A_248, %parallel_loop3A_264 : i32
      %parallel_loop3A_266 = arith.index_cast %parallel_loop3A_265 : i32 to index
      %parallel_loop3A_267 = tpu.vector_load %arg7[%parallel_loop3A_266] {strides = array<i32>} : memref<1024xf32, #tpu.memory_space<vmem>>, vector<16xf32>,
      %parallel_loop3A_268 = vector.shape_cast %parallel_loop3A_267 : vector<16xf32> to vector<16xf32>
      %parallel_loop3A_269 = arith.index_cast %parallel_loop3A_244 : i32 to index
      %parallel_loop3A_270 = arith.constant 16 : index
      %parallel_loop3A_271 = tpu.vector_load %arg9[%parallel_loop3A_269, %parallel_loop3A_270] {strides = array<i32>} : memref<512x128xf32, #tpu.memory_space<vmem>>, vector<1x16xf32>,
      %parallel_loop3A_272 = vector.shape_cast %parallel_loop3A_271 : vector<1x16xf32> to vector<16xf32>
      %parallel_loop3A_273 = arith.addf %parallel_loop3A_272, %parallel_loop3A_268 : vector<16xf32>
      %parallel_loop3A_274 = arith.index_cast %parallel_loop3A_244 : i32 to index
      %parallel_loop3A_275 = arith.constant 16 : index
      %parallel_loop3A_276 = tpu.vector_load %arg9[%parallel_loop3A_274, %parallel_loop3A_275] {strides = array<i32>} : memref<512x128xf32, #tpu.memory_space<vmem>>, vector<1x16xf32>,
      %parallel_loop3A_277 = vector.shape_cast %parallel_loop3A_276 : vector<1x16xf32> to vector<16xf32>
      %parallel_loop3A_278 = vector.shape_cast %parallel_loop3A_273 : vector<16xf32> to vector<1x16xf32>
      tpu.vector_store %arg9[%parallel_loop3A_274, %parallel_loop3A_275], %parallel_loop3A_278 {strides = array<i32>} : memref<512x128xf32, #tpu.memory_space<vmem>>, vector<1x16xf32>,
      %parallel_loop3A_279 = arith.constant 32 : i32
      %parallel_loop3A_280 = arith.addi %parallel_loop3A_248, %parallel_loop3A_279 : i32
      %parallel_loop3A_281 = arith.index_cast %parallel_loop3A_280 : i32 to index
      %parallel_loop3A_282 = tpu.vector_load %arg7[%parallel_loop3A_281] {strides = array<i32>} : memref<1024xf32, #tpu.memory_space<vmem>>, vector<16xf32>,
      %parallel_loop3A_283 = vector.shape_cast %parallel_loop3A_282 : vector<16xf32> to vector<16xf32>
      %parallel_loop3A_284 = arith.index_cast %parallel_loop3A_244 : i32 to index
      %parallel_loop3A_285 = arith.constant 32 : index
      %parallel_loop3A_286 = tpu.vector_load %arg9[%parallel_loop3A_284, %parallel_loop3A_285] {strides = array<i32>} : memref<512x128xf32, #tpu.memory_space<vmem>>, vector<1x16xf32>,
      %parallel_loop3A_287 = vector.shape_cast %parallel_loop3A_286 : vector<1x16xf32> to vector<16xf32>
      %parallel_loop3A_288 = arith.addf %parallel_loop3A_287, %parallel_loop3A_283 : vector<16xf32>
      %parallel_loop3A_289 = arith.index_cast %parallel_loop3A_244 : i32 to index
      %parallel_loop3A_290 = arith.constant 32 : index
      %parallel_loop3A_291 = tpu.vector_load %arg9[%parallel_loop3A_289, %parallel_loop3A_290] {strides = array<i32>} : memref<512x128xf32, #tpu.memory_space<vmem>>, vector<1x16xf32>,
      %parallel_loop3A_292 = vector.shape_cast %parallel_loop3A_291 : vector<1x16xf32> to vector<16xf32>
      %parallel_loop3A_293 = vector.shape_cast %parallel_loop3A_288 : vector<16xf32> to vector<1x16xf32>
      tpu.vector_store %arg9[%parallel_loop3A_289, %parallel_loop3A_290], %parallel_loop3A_293 {strides = array<i32>} : memref<512x128xf32, #tpu.memory_space<vmem>>, vector<1x16xf32>,
      %parallel_loop3A_294 = arith.constant 48 : i32
      %parallel_loop3A_295 = arith.addi %parallel_loop3A_248, %parallel_loop3A_294 : i32
      %parallel_loop3A_296 = arith.index_cast %parallel_loop3A_295 : i32 to index
      %parallel_loop3A_297 = tpu.vector_load %arg7[%parallel_loop3A_296] {strides = array<i32>} : memref<1024xf32, #tpu.memory_space<vmem>>, vector<16xf32>,
      %parallel_loop3A_298 = vector.shape_cast %parallel_loop3A_297 : vector<16xf32> to vector<16xf32>
      %parallel_loop3A_299 = arith.index_cast %parallel_loop3A_244 : i32 to index
      %parallel_loop3A_300 = arith.constant 48 : index
      %parallel_loop3A_301 = tpu.vector_load %arg9[%parallel_loop3A_299, %parallel_loop3A_300] {strides = array<i32>} : memref<512x128xf32, #tpu.memory_space<vmem>>, vector<1x16xf32>,
      %parallel_loop3A_302 = vector.shape_cast %parallel_loop3A_301 : vector<1x16xf32> to vector<16xf32>
      %parallel_loop3A_303 = arith.addf %parallel_loop3A_302, %parallel_loop3A_298 : vector<16xf32>
      %parallel_loop3A_304 = arith.index_cast %parallel_loop3A_244 : i32 to index
      %parallel_loop3A_305 = arith.constant 48 : index
      %parallel_loop3A_306 = tpu.vector_load %arg9[%parallel_loop3A_304, %parallel_loop3A_305] {strides = array<i32>} : memref<512x128xf32, #tpu.memory_space<vmem>>, vector<1x16xf32>,
      %parallel_loop3A_307 = vector.shape_cast %parallel_loop3A_306 : vector<1x16xf32> to vector<16xf32>
      %parallel_loop3A_308 = vector.shape_cast %parallel_loop3A_303 : vector<16xf32> to vector<1x16xf32>
      tpu.vector_store %arg9[%parallel_loop3A_304, %parallel_loop3A_305], %parallel_loop3A_308 {strides = array<i32>} : memref<512x128xf32, #tpu.memory_space<vmem>>, vector<1x16xf32>,
      %parallel_loop3A_309 = arith.constant 64 : i32
      %parallel_loop3A_310 = arith.addi %parallel_loop3A_248, %parallel_loop3A_309 : i32
      %parallel_loop3A_311 = arith.index_cast %parallel_loop3A_310 : i32 to index
      %parallel_loop3A_312 = tpu.vector_load %arg7[%parallel_loop3A_311] {strides = array<i32>} : memref<1024xf32, #tpu.memory_space<vmem>>, vector<16xf32>,
      %parallel_loop3A_313 = vector.shape_cast %parallel_loop3A_312 : vector<16xf32> to vector<16xf32>
      %parallel_loop3A_314 = arith.index_cast %parallel_loop3A_244 : i32 to index
      %parallel_loop3A_315 = arith.constant 64 : index
      %parallel_loop3A_316 = tpu.vector_load %arg9[%parallel_loop3A_314, %parallel_loop3A_315] {strides = array<i32>} : memref<512x128xf32, #tpu.memory_space<vmem>>, vector<1x16xf32>,
      %parallel_loop3A_317 = vector.shape_cast %parallel_loop3A_316 : vector<1x16xf32> to vector<16xf32>
      %parallel_loop3A_318 = arith.addf %parallel_loop3A_317, %parallel_loop3A_313 : vector<16xf32>
      %parallel_loop3A_319 = arith.index_cast %parallel_loop3A_244 : i32 to index
      %parallel_loop3A_320 = arith.constant 64 : index
      %parallel_loop3A_321 = tpu.vector_load %arg9[%parallel_loop3A_319, %parallel_loop3A_320] {strides = array<i32>} : memref<512x128xf32, #tpu.memory_space<vmem>>, vector<1x16xf32>,
      %parallel_loop3A_322 = vector.shape_cast %parallel_loop3A_321 : vector<1x16xf32> to vector<16xf32>
      %parallel_loop3A_323 = vector.shape_cast %parallel_loop3A_318 : vector<16xf32> to vector<1x16xf32>
      tpu.vector_store %arg9[%parallel_loop3A_319, %parallel_loop3A_320], %parallel_loop3A_323 {strides = array<i32>} : memref<512x128xf32, #tpu.memory_space<vmem>>, vector<1x16xf32>,
      %parallel_loop3A_324 = arith.constant 80 : i32
      %parallel_loop3A_325 = arith.addi %parallel_loop3A_248, %parallel_loop3A_324 : i32
      %parallel_loop3A_326 = arith.index_cast %parallel_loop3A_325 : i32 to index
      %parallel_loop3A_327 = tpu.vector_load %arg7[%parallel_loop3A_326] {strides = array<i32>} : memref<1024xf32, #tpu.memory_space<vmem>>, vector<16xf32>,
      %parallel_loop3A_328 = vector.shape_cast %parallel_loop3A_327 : vector<16xf32> to vector<16xf32>
      %parallel_loop3A_329 = arith.index_cast %parallel_loop3A_244 : i32 to index
      %parallel_loop3A_330 = arith.constant 80 : index
      %parallel_loop3A_331 = tpu.vector_load %arg9[%parallel_loop3A_329, %parallel_loop3A_330] {strides = array<i32>} : memref<512x128xf32, #tpu.memory_space<vmem>>, vector<1x16xf32>,
      %parallel_loop3A_332 = vector.shape_cast %parallel_loop3A_331 : vector<1x16xf32> to vector<16xf32>
      %parallel_loop3A_333 = arith.addf %parallel_loop3A_332, %parallel_loop3A_328 : vector<16xf32>
      %parallel_loop3A_334 = arith.index_cast %parallel_loop3A_244 : i32 to index
      %parallel_loop3A_335 = arith.constant 80 : index
      %parallel_loop3A_336 = tpu.vector_load %arg9[%parallel_loop3A_334, %parallel_loop3A_335] {strides = array<i32>} : memref<512x128xf32, #tpu.memory_space<vmem>>, vector<1x16xf32>,
      %parallel_loop3A_337 = vector.shape_cast %parallel_loop3A_336 : vector<1x16xf32> to vector<16xf32>
      %parallel_loop3A_338 = vector.shape_cast %parallel_loop3A_333 : vector<16xf32> to vector<1x16xf32>
      tpu.vector_store %arg9[%parallel_loop3A_334, %parallel_loop3A_335], %parallel_loop3A_338 {strides = array<i32>} : memref<512x128xf32, #tpu.memory_space<vmem>>, vector<1x16xf32>,
      %parallel_loop3A_339 = arith.constant 96 : i32
      %parallel_loop3A_340 = arith.addi %parallel_loop3A_248, %parallel_loop3A_339 : i32
      %parallel_loop3A_341 = arith.index_cast %parallel_loop3A_340 : i32 to index
      %parallel_loop3A_342 = tpu.vector_load %arg7[%parallel_loop3A_341] {strides = array<i32>} : memref<1024xf32, #tpu.memory_space<vmem>>, vector<16xf32>,
      %parallel_loop3A_343 = vector.shape_cast %parallel_loop3A_342 : vector<16xf32> to vector<16xf32>
      %parallel_loop3A_344 = arith.index_cast %parallel_loop3A_244 : i32 to index
      %parallel_loop3A_345 = arith.constant 96 : index
      %parallel_loop3A_346 = tpu.vector_load %arg9[%parallel_loop3A_344, %parallel_loop3A_345] {strides = array<i32>} : memref<512x128xf32, #tpu.memory_space<vmem>>, vector<1x16xf32>,
      %parallel_loop3A_347 = vector.shape_cast %parallel_loop3A_346 : vector<1x16xf32> to vector<16xf32>
      %parallel_loop3A_348 = arith.addf %parallel_loop3A_347, %parallel_loop3A_343 : vector<16xf32>
      %parallel_loop3A_349 = arith.index_cast %parallel_loop3A_244 : i32 to index
      %parallel_loop3A_350 = arith.constant 96 : index
      %parallel_loop3A_351 = tpu.vector_load %arg9[%parallel_loop3A_349, %parallel_loop3A_350] {strides = array<i32>} : memref<512x128xf32, #tpu.memory_space<vmem>>, vector<1x16xf32>,
      %parallel_loop3A_352 = vector.shape_cast %parallel_loop3A_351 : vector<1x16xf32> to vector<16xf32>
      %parallel_loop3A_353 = vector.shape_cast %parallel_loop3A_348 : vector<16xf32> to vector<1x16xf32>
      tpu.vector_store %arg9[%parallel_loop3A_349, %parallel_loop3A_350], %parallel_loop3A_353 {strides = array<i32>} : memref<512x128xf32, #tpu.memory_space<vmem>>, vector<1x16xf32>,
      %parallel_loop3A_354 = arith.constant 112 : i32
      %parallel_loop3A_355 = arith.addi %parallel_loop3A_248, %parallel_loop3A_354 : i32
      %parallel_loop3A_356 = arith.index_cast %parallel_loop3A_355 : i32 to index
      %parallel_loop3A_357 = tpu.vector_load %arg7[%parallel_loop3A_356] {strides = array<i32>} : memref<1024xf32, #tpu.memory_space<vmem>>, vector<16xf32>,
      %parallel_loop3A_358 = vector.shape_cast %parallel_loop3A_357 : vector<16xf32> to vector<16xf32>
      %parallel_loop3A_359 = arith.index_cast %parallel_loop3A_244 : i32 to index
      %parallel_loop3A_360 = arith.constant 112 : index
      %parallel_loop3A_361 = tpu.vector_load %arg9[%parallel_loop3A_359, %parallel_loop3A_360] {strides = array<i32>} : memref<512x128xf32, #tpu.memory_space<vmem>>, vector<1x16xf32>,
      %parallel_loop3A_362 = vector.shape_cast %parallel_loop3A_361 : vector<1x16xf32> to vector<16xf32>
      %parallel_loop3A_363 = arith.addf %parallel_loop3A_362, %parallel_loop3A_358 : vector<16xf32>
      %parallel_loop3A_364 = arith.index_cast %parallel_loop3A_244 : i32 to index
      %parallel_loop3A_365 = arith.constant 112 : index
      %parallel_loop3A_366 = tpu.vector_load %arg9[%parallel_loop3A_364, %parallel_loop3A_365] {strides = array<i32>} : memref<512x128xf32, #tpu.memory_space<vmem>>, vector<1x16xf32>,
      %parallel_loop3A_367 = vector.shape_cast %parallel_loop3A_366 : vector<1x16xf32> to vector<16xf32>
      %parallel_loop3A_368 = vector.shape_cast %parallel_loop3A_363 : vector<16xf32> to vector<1x16xf32>
      tpu.vector_store %arg9[%parallel_loop3A_364, %parallel_loop3A_365], %parallel_loop3A_368 {strides = array<i32>} : memref<512x128xf32, #tpu.memory_space<vmem>>, vector<1x16xf32>,
    } {sc.loop_unroll_factor = 1 : i64, sc.parallel_access}
    %add3A_52 = arith.constant 0 : i32
    %add3A_53 = arith.addi %mul3A_2, %add3A_52 : i32
    %dma_start3A_54 = arith.constant 0 : i32
    %dma_start3A_55 = arith.constant 0 : i32
    %dma_start3A_56 = tpu.memref_slice %arg9[%dma_start3A_54, %dma_start3A_55] : memref<512x128xf32, #tpu.memory_space<vmem>> -> memref<256x128xf32, #tpu.memory_space<vmem>>
    %dma_start3A_57 = arith.constant 0 : i32
    %dma_start3A_58 = tpu.memref_slice %arg5[%add3A_53, %dma_start3A_57] : memref<16384x128xf32, #tpu.memory_space<hbm>> -> memref<256x128xf32, #tpu.memory_space<hbm>>
    %dma_start3A_59 = arith.constant 0 : i32
    %dma_start3A_60 = tpu.memref_slice %arg5[%add3A_53, %dma_start3A_59] : memref<16384x128xf32, #tpu.memory_space<hbm>> -> memref<256x128xf32, #tpu.memory_space<hbm>>
    %dma_start3A_61 = arith.constant 0 : i32
    %dma_start3A_62 = arith.constant 0 : i32
    %dma_start3A_63 = tpu.memref_slice %arg9[%dma_start3A_61, %dma_start3A_62] : memref<512x128xf32, #tpu.memory_space<vmem>> -> memref<256x128xf32, #tpu.memory_space<vmem>>
    tpu.enqueue_dma source(%dma_start3A_63 : memref<256x128xf32, #tpu.memory_space<vmem>>) target(%dma_start3A_60 : memref<256x128xf32, #tpu.memory_space<hbm>>) target_semaphore(%arg16 : memref<!tpu.dma_semaphore, #tpu.memory_space<semaphore_mem>>)
    %dma_wait3A_64 = arith.constant 256 : i32
    %dma_wait3A_65 = arith.constant 0 : i32
    %dma_wait3A_66 = tpu.memref_slice %arg9[%dma_wait3A_64, %dma_wait3A_65] : memref<512x128xf32, #tpu.memory_space<vmem>> -> memref<256x128xf32, #tpu.memory_space<vmem>>
    %dma_wait3A_67 = arith.constant 0 : i32
    %dma_wait3A_68 = tpu.memref_slice %arg2[%add3A_21, %dma_wait3A_67] : memref<16384x128xf32, #tpu.memory_space<hbm>> -> memref<256x128xf32, #tpu.memory_space<hbm>>
    %dma_wait3A_69 = arith.constant 256 : i32
    %dma_wait3A_70 = arith.constant 0 : i32
    %dma_wait3A_71 = tpu.memref_slice %arg9[%dma_wait3A_69, %dma_wait3A_70] : memref<512x128xf32, #tpu.memory_space<vmem>> -> memref<256x128xf32, #tpu.memory_space<vmem>>
    %dma_wait3A_72 = arith.constant 0 : i32
    %dma_wait3A_73 = tpu.memref_slice %arg2[%add3A_21, %dma_wait3A_72] : memref<16384x128xf32, #tpu.memory_space<hbm>> -> memref<256x128xf32, #tpu.memory_space<hbm>>
    tpu.wait_dma2 semaphore(%arg13 : memref<!tpu.dma_semaphore, #tpu.memory_space<semaphore_mem>>) src(%dma_wait3A_73 : memref<256x128xf32, #tpu.memory_space<hbm>>) dst(%dma_wait3A_71 : memref<256x128xf32, #tpu.memory_space<vmem>>)
    %parallel_loop3A_74 = arith.constant 0 : i32
    %parallel_loop3A_75 = arith.constant 128 : i32
    %parallel_loop3A_76 = arith.constant 1 : i32
    scf.for %parallel_loop3A_109 = %parallel_loop3A_74 to %parallel_loop3A_75 step %parallel_loop3A_76  : i32 {
      %parallel_loop3A_110 = arith.constant 2 : i32
      %parallel_loop3A_111 = arith.muli %parallel_loop3A_109, %parallel_loop3A_110 : i32
      %parallel_loop3A_112 = arith.constant 256 : i32
      %parallel_loop3A_113 = arith.addi %parallel_loop3A_112, %parallel_loop3A_111 : i32
      %parallel_loop3A_114 = arith.index_cast %parallel_loop3A_113 : i32 to index
      %parallel_loop3A_115 = tpu.vector_load %arg8[%parallel_loop3A_114] {strides = array<i32>} : memref<528xi32, #tpu.memory_space<vmem>>, vector<16xi32>,
      %parallel_loop3A_116 = vector.shape_cast %parallel_loop3A_115 : vector<16xi32> to vector<16xi32>
      %parallel_loop3A_117 = arith.constant 0 : i32
      %parallel_loop3A_118 = arith.addi %parallel_loop3A_113, %parallel_loop3A_117 : i32
      %parallel_loop3A_119 = vector.extract_strided_slice %parallel_loop3A_116 {offsets = [0], sizes = [1], strides = [1]} : vector<16xi32> to vector<1xi32>
      %parallel_loop3A_120 = vector.extract %parallel_loop3A_119[0] : i32 from vector<1xi32>
      %parallel_loop3A_121 = arith.constant 128 : i32
      %parallel_loop3A_122 = arith.muli %parallel_loop3A_120, %parallel_loop3A_121 : i32
      %parallel_loop3A_123 = arith.constant 0 : i32
      %parallel_loop3A_124 = arith.addi %parallel_loop3A_122, %parallel_loop3A_123 : i32
      %parallel_loop3A_125 = arith.index_cast %parallel_loop3A_124 : i32 to index
      %parallel_loop3A_126 = tpu.vector_load %arg7[%parallel_loop3A_125] {strides = array<i32>} : memref<1024xf32, #tpu.memory_space<vmem>>, vector<16xf32>,
      %parallel_loop3A_127 = vector.shape_cast %parallel_loop3A_126 : vector<16xf32> to vector<16xf32>
      %parallel_loop3A_128 = arith.index_cast %parallel_loop3A_118 : i32 to index
      %parallel_loop3A_129 = arith.constant 0 : index
      %parallel_loop3A_130 = tpu.vector_load %arg9[%parallel_loop3A_128, %parallel_loop3A_129] {strides = array<i32>} : memref<512x128xf32, #tpu.memory_space<vmem>>, vector<1x16xf32>,
      %parallel_loop3A_131 = vector.shape_cast %parallel_loop3A_130 : vector<1x16xf32> to vector<16xf32>
      %parallel_loop3A_132 = arith.addf %parallel_loop3A_131, %parallel_loop3A_127 : vector<16xf32>
      %parallel_loop3A_133 = arith.index_cast %parallel_loop3A_118 : i32 to index
      %parallel_loop3A_134 = arith.constant 0 : index
      %parallel_loop3A_135 = tpu.vector_load %arg9[%parallel_loop3A_133, %parallel_loop3A_134] {strides = array<i32>} : memref<512x128xf32, #tpu.memory_space<vmem>>, vector<1x16xf32>,
      %parallel_loop3A_136 = vector.shape_cast %parallel_loop3A_135 : vector<1x16xf32> to vector<16xf32>
      %parallel_loop3A_137 = vector.shape_cast %parallel_loop3A_132 : vector<16xf32> to vector<1x16xf32>
      tpu.vector_store %arg9[%parallel_loop3A_133, %parallel_loop3A_134], %parallel_loop3A_137 {strides = array<i32>} : memref<512x128xf32, #tpu.memory_space<vmem>>, vector<1x16xf32>,
      %parallel_loop3A_138 = arith.constant 16 : i32
      %parallel_loop3A_139 = arith.addi %parallel_loop3A_122, %parallel_loop3A_138 : i32
      %parallel_loop3A_140 = arith.index_cast %parallel_loop3A_139 : i32 to index
      %parallel_loop3A_141 = tpu.vector_load %arg7[%parallel_loop3A_140] {strides = array<i32>} : memref<1024xf32, #tpu.memory_space<vmem>>, vector<16xf32>,
      %parallel_loop3A_142 = vector.shape_cast %parallel_loop3A_141 : vector<16xf32> to vector<16xf32>
      %parallel_loop3A_143 = arith.index_cast %parallel_loop3A_118 : i32 to index
      %parallel_loop3A_144 = arith.constant 16 : index
      %parallel_loop3A_145 = tpu.vector_load %arg9[%parallel_loop3A_143, %parallel_loop3A_144] {strides = array<i32>} : memref<512x128xf32, #tpu.memory_space<vmem>>, vector<1x16xf32>,
      %parallel_loop3A_146 = vector.shape_cast %parallel_loop3A_145 : vector<1x16xf32> to vector<16xf32>
      %parallel_loop3A_147 = arith.addf %parallel_loop3A_146, %parallel_loop3A_142 : vector<16xf32>
      %parallel_loop3A_148 = arith.index_cast %parallel_loop3A_118 : i32 to index
      %parallel_loop3A_149 = arith.constant 16 : index
      %parallel_loop3A_150 = tpu.vector_load %arg9[%parallel_loop3A_148, %parallel_loop3A_149] {strides = array<i32>} : memref<512x128xf32, #tpu.memory_space<vmem>>, vector<1x16xf32>,
      %parallel_loop3A_151 = vector.shape_cast %parallel_loop3A_150 : vector<1x16xf32> to vector<16xf32>
      %parallel_loop3A_152 = vector.shape_cast %parallel_loop3A_147 : vector<16xf32> to vector<1x16xf32>
      tpu.vector_store %arg9[%parallel_loop3A_148, %parallel_loop3A_149], %parallel_loop3A_152 {strides = array<i32>} : memref<512x128xf32, #tpu.memory_space<vmem>>, vector<1x16xf32>,
      %parallel_loop3A_153 = arith.constant 32 : i32
      %parallel_loop3A_154 = arith.addi %parallel_loop3A_122, %parallel_loop3A_153 : i32
      %parallel_loop3A_155 = arith.index_cast %parallel_loop3A_154 : i32 to index
      %parallel_loop3A_156 = tpu.vector_load %arg7[%parallel_loop3A_155] {strides = array<i32>} : memref<1024xf32, #tpu.memory_space<vmem>>, vector<16xf32>,
      %parallel_loop3A_157 = vector.shape_cast %parallel_loop3A_156 : vector<16xf32> to vector<16xf32>
      %parallel_loop3A_158 = arith.index_cast %parallel_loop3A_118 : i32 to index
      %parallel_loop3A_159 = arith.constant 32 : index
      %parallel_loop3A_160 = tpu.vector_load %arg9[%parallel_loop3A_158, %parallel_loop3A_159] {strides = array<i32>} : memref<512x128xf32, #tpu.memory_space<vmem>>, vector<1x16xf32>,
      %parallel_loop3A_161 = vector.shape_cast %parallel_loop3A_160 : vector<1x16xf32> to vector<16xf32>
      %parallel_loop3A_162 = arith.addf %parallel_loop3A_161, %parallel_loop3A_157 : vector<16xf32>
      %parallel_loop3A_163 = arith.index_cast %parallel_loop3A_118 : i32 to index
      %parallel_loop3A_164 = arith.constant 32 : index
      %parallel_loop3A_165 = tpu.vector_load %arg9[%parallel_loop3A_163, %parallel_loop3A_164] {strides = array<i32>} : memref<512x128xf32, #tpu.memory_space<vmem>>, vector<1x16xf32>,
      %parallel_loop3A_166 = vector.shape_cast %parallel_loop3A_165 : vector<1x16xf32> to vector<16xf32>
      %parallel_loop3A_167 = vector.shape_cast %parallel_loop3A_162 : vector<16xf32> to vector<1x16xf32>
      tpu.vector_store %arg9[%parallel_loop3A_163, %parallel_loop3A_164], %parallel_loop3A_167 {strides = array<i32>} : memref<512x128xf32, #tpu.memory_space<vmem>>, vector<1x16xf32>,
      %parallel_loop3A_168 = arith.constant 48 : i32
      %parallel_loop3A_169 = arith.addi %parallel_loop3A_122, %parallel_loop3A_168 : i32
      %parallel_loop3A_170 = arith.index_cast %parallel_loop3A_169 : i32 to index
      %parallel_loop3A_171 = tpu.vector_load %arg7[%parallel_loop3A_170] {strides = array<i32>} : memref<1024xf32, #tpu.memory_space<vmem>>, vector<16xf32>,
      %parallel_loop3A_172 = vector.shape_cast %parallel_loop3A_171 : vector<16xf32> to vector<16xf32>
      %parallel_loop3A_173 = arith.index_cast %parallel_loop3A_118 : i32 to index
      %parallel_loop3A_174 = arith.constant 48 : index
      %parallel_loop3A_175 = tpu.vector_load %arg9[%parallel_loop3A_173, %parallel_loop3A_174] {strides = array<i32>} : memref<512x128xf32, #tpu.memory_space<vmem>>, vector<1x16xf32>,
      %parallel_loop3A_176 = vector.shape_cast %parallel_loop3A_175 : vector<1x16xf32> to vector<16xf32>
      %parallel_loop3A_177 = arith.addf %parallel_loop3A_176, %parallel_loop3A_172 : vector<16xf32>
      %parallel_loop3A_178 = arith.index_cast %parallel_loop3A_118 : i32 to index
      %parallel_loop3A_179 = arith.constant 48 : index
      %parallel_loop3A_180 = tpu.vector_load %arg9[%parallel_loop3A_178, %parallel_loop3A_179] {strides = array<i32>} : memref<512x128xf32, #tpu.memory_space<vmem>>, vector<1x16xf32>,
      %parallel_loop3A_181 = vector.shape_cast %parallel_loop3A_180 : vector<1x16xf32> to vector<16xf32>
      %parallel_loop3A_182 = vector.shape_cast %parallel_loop3A_177 : vector<16xf32> to vector<1x16xf32>
      tpu.vector_store %arg9[%parallel_loop3A_178, %parallel_loop3A_179], %parallel_loop3A_182 {strides = array<i32>} : memref<512x128xf32, #tpu.memory_space<vmem>>, vector<1x16xf32>,
      %parallel_loop3A_183 = arith.constant 64 : i32
      %parallel_loop3A_184 = arith.addi %parallel_loop3A_122, %parallel_loop3A_183 : i32
      %parallel_loop3A_185 = arith.index_cast %parallel_loop3A_184 : i32 to index
      %parallel_loop3A_186 = tpu.vector_load %arg7[%parallel_loop3A_185] {strides = array<i32>} : memref<1024xf32, #tpu.memory_space<vmem>>, vector<16xf32>,
      %parallel_loop3A_187 = vector.shape_cast %parallel_loop3A_186 : vector<16xf32> to vector<16xf32>
      %parallel_loop3A_188 = arith.index_cast %parallel_loop3A_118 : i32 to index
      %parallel_loop3A_189 = arith.constant 64 : index
      %parallel_loop3A_190 = tpu.vector_load %arg9[%parallel_loop3A_188, %parallel_loop3A_189] {strides = array<i32>} : memref<512x128xf32, #tpu.memory_space<vmem>>, vector<1x16xf32>,
      %parallel_loop3A_191 = vector.shape_cast %parallel_loop3A_190 : vector<1x16xf32> to vector<16xf32>
      %parallel_loop3A_192 = arith.addf %parallel_loop3A_191, %parallel_loop3A_187 : vector<16xf32>
      %parallel_loop3A_193 = arith.index_cast %parallel_loop3A_118 : i32 to index
      %parallel_loop3A_194 = arith.constant 64 : index
      %parallel_loop3A_195 = tpu.vector_load %arg9[%parallel_loop3A_193, %parallel_loop3A_194] {strides = array<i32>} : memref<512x128xf32, #tpu.memory_space<vmem>>, vector<1x16xf32>,
      %parallel_loop3A_196 = vector.shape_cast %parallel_loop3A_195 : vector<1x16xf32> to vector<16xf32>
      %parallel_loop3A_197 = vector.shape_cast %parallel_loop3A_192 : vector<16xf32> to vector<1x16xf32>
      tpu.vector_store %arg9[%parallel_loop3A_193, %parallel_loop3A_194], %parallel_loop3A_197 {strides = array<i32>} : memref<512x128xf32, #tpu.memory_space<vmem>>, vector<1x16xf32>,
      %parallel_loop3A_198 = arith.constant 80 : i32
      %parallel_loop3A_199 = arith.addi %parallel_loop3A_122, %parallel_loop3A_198 : i32
      %parallel_loop3A_200 = arith.index_cast %parallel_loop3A_199 : i32 to index
      %parallel_loop3A_201 = tpu.vector_load %arg7[%parallel_loop3A_200] {strides = array<i32>} : memref<1024xf32, #tpu.memory_space<vmem>>, vector<16xf32>,
      %parallel_loop3A_202 = vector.shape_cast %parallel_loop3A_201 : vector<16xf32> to vector<16xf32>
      %parallel_loop3A_203 = arith.index_cast %parallel_loop3A_118 : i32 to index
      %parallel_loop3A_204 = arith.constant 80 : index
      %parallel_loop3A_205 = tpu.vector_load %arg9[%parallel_loop3A_203, %parallel_loop3A_204] {strides = array<i32>} : memref<512x128xf32, #tpu.memory_space<vmem>>, vector<1x16xf32>,
      %parallel_loop3A_206 = vector.shape_cast %parallel_loop3A_205 : vector<1x16xf32> to vector<16xf32>
      %parallel_loop3A_207 = arith.addf %parallel_loop3A_206, %parallel_loop3A_202 : vector<16xf32>
      %parallel_loop3A_208 = arith.index_cast %parallel_loop3A_118 : i32 to index
      %parallel_loop3A_209 = arith.constant 80 : index
      %parallel_loop3A_210 = tpu.vector_load %arg9[%parallel_loop3A_208, %parallel_loop3A_209] {strides = array<i32>} : memref<512x128xf32, #tpu.memory_space<vmem>>, vector<1x16xf32>,
      %parallel_loop3A_211 = vector.shape_cast %parallel_loop3A_210 : vector<1x16xf32> to vector<16xf32>
      %parallel_loop3A_212 = vector.shape_cast %parallel_loop3A_207 : vector<16xf32> to vector<1x16xf32>
      tpu.vector_store %arg9[%parallel_loop3A_208, %parallel_loop3A_209], %parallel_loop3A_212 {strides = array<i32>} : memref<512x128xf32, #tpu.memory_space<vmem>>, vector<1x16xf32>,
      %parallel_loop3A_213 = arith.constant 96 : i32
      %parallel_loop3A_214 = arith.addi %parallel_loop3A_122, %parallel_loop3A_213 : i32
      %parallel_loop3A_215 = arith.index_cast %parallel_loop3A_214 : i32 to index
      %parallel_loop3A_216 = tpu.vector_load %arg7[%parallel_loop3A_215] {strides = array<i32>} : memref<1024xf32, #tpu.memory_space<vmem>>, vector<16xf32>,
      %parallel_loop3A_217 = vector.shape_cast %parallel_loop3A_216 : vector<16xf32> to vector<16xf32>
      %parallel_loop3A_218 = arith.index_cast %parallel_loop3A_118 : i32 to index
      %parallel_loop3A_219 = arith.constant 96 : index
      %parallel_loop3A_220 = tpu.vector_load %arg9[%parallel_loop3A_218, %parallel_loop3A_219] {strides = array<i32>} : memref<512x128xf32, #tpu.memory_space<vmem>>, vector<1x16xf32>,
      %parallel_loop3A_221 = vector.shape_cast %parallel_loop3A_220 : vector<1x16xf32> to vector<16xf32>
      %parallel_loop3A_222 = arith.addf %parallel_loop3A_221, %parallel_loop3A_217 : vector<16xf32>
      %parallel_loop3A_223 = arith.index_cast %parallel_loop3A_118 : i32 to index
      %parallel_loop3A_224 = arith.constant 96 : index
      %parallel_loop3A_225 = tpu.vector_load %arg9[%parallel_loop3A_223, %parallel_loop3A_224] {strides = array<i32>} : memref<512x128xf32, #tpu.memory_space<vmem>>, vector<1x16xf32>,
      %parallel_loop3A_226 = vector.shape_cast %parallel_loop3A_225 : vector<1x16xf32> to vector<16xf32>
      %parallel_loop3A_227 = vector.shape_cast %parallel_loop3A_222 : vector<16xf32> to vector<1x16xf32>
      tpu.vector_store %arg9[%parallel_loop3A_223, %parallel_loop3A_224], %parallel_loop3A_227 {strides = array<i32>} : memref<512x128xf32, #tpu.memory_space<vmem>>, vector<1x16xf32>,
      %parallel_loop3A_228 = arith.constant 112 : i32
      %parallel_loop3A_229 = arith.addi %parallel_loop3A_122, %parallel_loop3A_228 : i32
      %parallel_loop3A_230 = arith.index_cast %parallel_loop3A_229 : i32 to index
      %parallel_loop3A_231 = tpu.vector_load %arg7[%parallel_loop3A_230] {strides = array<i32>} : memref<1024xf32, #tpu.memory_space<vmem>>, vector<16xf32>,
      %parallel_loop3A_232 = vector.shape_cast %parallel_loop3A_231 : vector<16xf32> to vector<16xf32>
      %parallel_loop3A_233 = arith.index_cast %parallel_loop3A_118 : i32 to index
      %parallel_loop3A_234 = arith.constant 112 : index
      %parallel_loop3A_235 = tpu.vector_load %arg9[%parallel_loop3A_233, %parallel_loop3A_234] {strides = array<i32>} : memref<512x128xf32, #tpu.memory_space<vmem>>, vector<1x16xf32>,
      %parallel_loop3A_236 = vector.shape_cast %parallel_loop3A_235 : vector<1x16xf32> to vector<16xf32>
      %parallel_loop3A_237 = arith.addf %parallel_loop3A_236, %parallel_loop3A_232 : vector<16xf32>
      %parallel_loop3A_238 = arith.index_cast %parallel_loop3A_118 : i32 to index
      %parallel_loop3A_239 = arith.constant 112 : index
      %parallel_loop3A_240 = tpu.vector_load %arg9[%parallel_loop3A_238, %parallel_loop3A_239] {strides = array<i32>} : memref<512x128xf32, #tpu.memory_space<vmem>>, vector<1x16xf32>,
      %parallel_loop3A_241 = vector.shape_cast %parallel_loop3A_240 : vector<1x16xf32> to vector<16xf32>
      %parallel_loop3A_242 = vector.shape_cast %parallel_loop3A_237 : vector<16xf32> to vector<1x16xf32>
      tpu.vector_store %arg9[%parallel_loop3A_238, %parallel_loop3A_239], %parallel_loop3A_242 {strides = array<i32>} : memref<512x128xf32, #tpu.memory_space<vmem>>, vector<1x16xf32>,
      %parallel_loop3A_243 = arith.constant 1 : i32
      %parallel_loop3A_244 = arith.addi %parallel_loop3A_113, %parallel_loop3A_243 : i32
      %parallel_loop3A_245 = vector.extract_strided_slice %parallel_loop3A_116 {offsets = [1], sizes = [1], strides = [1]} : vector<16xi32> to vector<1xi32>
      %parallel_loop3A_246 = vector.extract %parallel_loop3A_245[0] : i32 from vector<1xi32>
      %parallel_loop3A_247 = arith.constant 128 : i32
      %parallel_loop3A_248 = arith.muli %parallel_loop3A_246, %parallel_loop3A_247 : i32
      %parallel_loop3A_249 = arith.constant 0 : i32
      %parallel_loop3A_250 = arith.addi %parallel_loop3A_248, %parallel_loop3A_249 : i32
      %parallel_loop3A_251 = arith.index_cast %parallel_loop3A_250 : i32 to index
      %parallel_loop3A_252 = tpu.vector_load %arg7[%parallel_loop3A_251] {strides = array<i32>} : memref<1024xf32, #tpu.memory_space<vmem>>, vector<16xf32>,
      %parallel_loop3A_253 = vector.shape_cast %parallel_loop3A_252 : vector<16xf32> to vector<16xf32>
      %parallel_loop3A_254 = arith.index_cast %parallel_loop3A_244 : i32 to index
      %parallel_loop3A_255 = arith.constant 0 : index
      %parallel_loop3A_256 = tpu.vector_load %arg9[%parallel_loop3A_254, %parallel_loop3A_255] {strides = array<i32>} : memref<512x128xf32, #tpu.memory_space<vmem>>, vector<1x16xf32>,
      %parallel_loop3A_257 = vector.shape_cast %parallel_loop3A_256 : vector<1x16xf32> to vector<16xf32>
      %parallel_loop3A_258 = arith.addf %parallel_loop3A_257, %parallel_loop3A_253 : vector<16xf32>
      %parallel_loop3A_259 = arith.index_cast %parallel_loop3A_244 : i32 to index
      %parallel_loop3A_260 = arith.constant 0 : index
      %parallel_loop3A_261 = tpu.vector_load %arg9[%parallel_loop3A_259, %parallel_loop3A_260] {strides = array<i32>} : memref<512x128xf32, #tpu.memory_space<vmem>>, vector<1x16xf32>,
      %parallel_loop3A_262 = vector.shape_cast %parallel_loop3A_261 : vector<1x16xf32> to vector<16xf32>
      %parallel_loop3A_263 = vector.shape_cast %parallel_loop3A_258 : vector<16xf32> to vector<1x16xf32>
      tpu.vector_store %arg9[%parallel_loop3A_259, %parallel_loop3A_260], %parallel_loop3A_263 {strides = array<i32>} : memref<512x128xf32, #tpu.memory_space<vmem>>, vector<1x16xf32>,
      %parallel_loop3A_264 = arith.constant 16 : i32
      %parallel_loop3A_265 = arith.addi %parallel_loop3A_248, %parallel_loop3A_264 : i32
      %parallel_loop3A_266 = arith.index_cast %parallel_loop3A_265 : i32 to index
      %parallel_loop3A_267 = tpu.vector_load %arg7[%parallel_loop3A_266] {strides = array<i32>} : memref<1024xf32, #tpu.memory_space<vmem>>, vector<16xf32>,
      %parallel_loop3A_268 = vector.shape_cast %parallel_loop3A_267 : vector<16xf32> to vector<16xf32>
      %parallel_loop3A_269 = arith.index_cast %parallel_loop3A_244 : i32 to index
      %parallel_loop3A_270 = arith.constant 16 : index
      %parallel_loop3A_271 = tpu.vector_load %arg9[%parallel_loop3A_269, %parallel_loop3A_270] {strides = array<i32>} : memref<512x128xf32, #tpu.memory_space<vmem>>, vector<1x16xf32>,
      %parallel_loop3A_272 = vector.shape_cast %parallel_loop3A_271 : vector<1x16xf32> to vector<16xf32>
      %parallel_loop3A_273 = arith.addf %parallel_loop3A_272, %parallel_loop3A_268 : vector<16xf32>
      %parallel_loop3A_274 = arith.index_cast %parallel_loop3A_244 : i32 to index
      %parallel_loop3A_275 = arith.constant 16 : index
      %parallel_loop3A_276 = tpu.vector_load %arg9[%parallel_loop3A_274, %parallel_loop3A_275] {strides = array<i32>} : memref<512x128xf32, #tpu.memory_space<vmem>>, vector<1x16xf32>,
      %parallel_loop3A_277 = vector.shape_cast %parallel_loop3A_276 : vector<1x16xf32> to vector<16xf32>
      %parallel_loop3A_278 = vector.shape_cast %parallel_loop3A_273 : vector<16xf32> to vector<1x16xf32>
      tpu.vector_store %arg9[%parallel_loop3A_274, %parallel_loop3A_275], %parallel_loop3A_278 {strides = array<i32>} : memref<512x128xf32, #tpu.memory_space<vmem>>, vector<1x16xf32>,
      %parallel_loop3A_279 = arith.constant 32 : i32
      %parallel_loop3A_280 = arith.addi %parallel_loop3A_248, %parallel_loop3A_279 : i32
      %parallel_loop3A_281 = arith.index_cast %parallel_loop3A_280 : i32 to index
      %parallel_loop3A_282 = tpu.vector_load %arg7[%parallel_loop3A_281] {strides = array<i32>} : memref<1024xf32, #tpu.memory_space<vmem>>, vector<16xf32>,
      %parallel_loop3A_283 = vector.shape_cast %parallel_loop3A_282 : vector<16xf32> to vector<16xf32>
      %parallel_loop3A_284 = arith.index_cast %parallel_loop3A_244 : i32 to index
      %parallel_loop3A_285 = arith.constant 32 : index
      %parallel_loop3A_286 = tpu.vector_load %arg9[%parallel_loop3A_284, %parallel_loop3A_285] {strides = array<i32>} : memref<512x128xf32, #tpu.memory_space<vmem>>, vector<1x16xf32>,
      %parallel_loop3A_287 = vector.shape_cast %parallel_loop3A_286 : vector<1x16xf32> to vector<16xf32>
      %parallel_loop3A_288 = arith.addf %parallel_loop3A_287, %parallel_loop3A_283 : vector<16xf32>
      %parallel_loop3A_289 = arith.index_cast %parallel_loop3A_244 : i32 to index
      %parallel_loop3A_290 = arith.constant 32 : index
      %parallel_loop3A_291 = tpu.vector_load %arg9[%parallel_loop3A_289, %parallel_loop3A_290] {strides = array<i32>} : memref<512x128xf32, #tpu.memory_space<vmem>>, vector<1x16xf32>,
      %parallel_loop3A_292 = vector.shape_cast %parallel_loop3A_291 : vector<1x16xf32> to vector<16xf32>
      %parallel_loop3A_293 = vector.shape_cast %parallel_loop3A_288 : vector<16xf32> to vector<1x16xf32>
      tpu.vector_store %arg9[%parallel_loop3A_289, %parallel_loop3A_290], %parallel_loop3A_293 {strides = array<i32>} : memref<512x128xf32, #tpu.memory_space<vmem>>, vector<1x16xf32>,
      %parallel_loop3A_294 = arith.constant 48 : i32
      %parallel_loop3A_295 = arith.addi %parallel_loop3A_248, %parallel_loop3A_294 : i32
      %parallel_loop3A_296 = arith.index_cast %parallel_loop3A_295 : i32 to index
      %parallel_loop3A_297 = tpu.vector_load %arg7[%parallel_loop3A_296] {strides = array<i32>} : memref<1024xf32, #tpu.memory_space<vmem>>, vector<16xf32>,
      %parallel_loop3A_298 = vector.shape_cast %parallel_loop3A_297 : vector<16xf32> to vector<16xf32>
      %parallel_loop3A_299 = arith.index_cast %parallel_loop3A_244 : i32 to index
      %parallel_loop3A_300 = arith.constant 48 : index
      %parallel_loop3A_301 = tpu.vector_load %arg9[%parallel_loop3A_299, %parallel_loop3A_300] {strides = array<i32>} : memref<512x128xf32, #tpu.memory_space<vmem>>, vector<1x16xf32>,
      %parallel_loop3A_302 = vector.shape_cast %parallel_loop3A_301 : vector<1x16xf32> to vector<16xf32>
      %parallel_loop3A_303 = arith.addf %parallel_loop3A_302, %parallel_loop3A_298 : vector<16xf32>
      %parallel_loop3A_304 = arith.index_cast %parallel_loop3A_244 : i32 to index
      %parallel_loop3A_305 = arith.constant 48 : index
      %parallel_loop3A_306 = tpu.vector_load %arg9[%parallel_loop3A_304, %parallel_loop3A_305] {strides = array<i32>} : memref<512x128xf32, #tpu.memory_space<vmem>>, vector<1x16xf32>,
      %parallel_loop3A_307 = vector.shape_cast %parallel_loop3A_306 : vector<1x16xf32> to vector<16xf32>
      %parallel_loop3A_308 = vector.shape_cast %parallel_loop3A_303 : vector<16xf32> to vector<1x16xf32>
      tpu.vector_store %arg9[%parallel_loop3A_304, %parallel_loop3A_305], %parallel_loop3A_308 {strides = array<i32>} : memref<512x128xf32, #tpu.memory_space<vmem>>, vector<1x16xf32>,
      %parallel_loop3A_309 = arith.constant 64 : i32
      %parallel_loop3A_310 = arith.addi %parallel_loop3A_248, %parallel_loop3A_309 : i32
      %parallel_loop3A_311 = arith.index_cast %parallel_loop3A_310 : i32 to index
      %parallel_loop3A_312 = tpu.vector_load %arg7[%parallel_loop3A_311] {strides = array<i32>} : memref<1024xf32, #tpu.memory_space<vmem>>, vector<16xf32>,
      %parallel_loop3A_313 = vector.shape_cast %parallel_loop3A_312 : vector<16xf32> to vector<16xf32>
      %parallel_loop3A_314 = arith.index_cast %parallel_loop3A_244 : i32 to index
      %parallel_loop3A_315 = arith.constant 64 : index
      %parallel_loop3A_316 = tpu.vector_load %arg9[%parallel_loop3A_314, %parallel_loop3A_315] {strides = array<i32>} : memref<512x128xf32, #tpu.memory_space<vmem>>, vector<1x16xf32>,
      %parallel_loop3A_317 = vector.shape_cast %parallel_loop3A_316 : vector<1x16xf32> to vector<16xf32>
      %parallel_loop3A_318 = arith.addf %parallel_loop3A_317, %parallel_loop3A_313 : vector<16xf32>
      %parallel_loop3A_319 = arith.index_cast %parallel_loop3A_244 : i32 to index
      %parallel_loop3A_320 = arith.constant 64 : index
      %parallel_loop3A_321 = tpu.vector_load %arg9[%parallel_loop3A_319, %parallel_loop3A_320] {strides = array<i32>} : memref<512x128xf32, #tpu.memory_space<vmem>>, vector<1x16xf32>,
      %parallel_loop3A_322 = vector.shape_cast %parallel_loop3A_321 : vector<1x16xf32> to vector<16xf32>
      %parallel_loop3A_323 = vector.shape_cast %parallel_loop3A_318 : vector<16xf32> to vector<1x16xf32>
      tpu.vector_store %arg9[%parallel_loop3A_319, %parallel_loop3A_320], %parallel_loop3A_323 {strides = array<i32>} : memref<512x128xf32, #tpu.memory_space<vmem>>, vector<1x16xf32>,
      %parallel_loop3A_324 = arith.constant 80 : i32
      %parallel_loop3A_325 = arith.addi %parallel_loop3A_248, %parallel_loop3A_324 : i32
      %parallel_loop3A_326 = arith.index_cast %parallel_loop3A_325 : i32 to index
      %parallel_loop3A_327 = tpu.vector_load %arg7[%parallel_loop3A_326] {strides = array<i32>} : memref<1024xf32, #tpu.memory_space<vmem>>, vector<16xf32>,
      %parallel_loop3A_328 = vector.shape_cast %parallel_loop3A_327 : vector<16xf32> to vector<16xf32>
      %parallel_loop3A_329 = arith.index_cast %parallel_loop3A_244 : i32 to index
      %parallel_loop3A_330 = arith.constant 80 : index
      %parallel_loop3A_331 = tpu.vector_load %arg9[%parallel_loop3A_329, %parallel_loop3A_330] {strides = array<i32>} : memref<512x128xf32, #tpu.memory_space<vmem>>, vector<1x16xf32>,
      %parallel_loop3A_332 = vector.shape_cast %parallel_loop3A_331 : vector<1x16xf32> to vector<16xf32>
      %parallel_loop3A_333 = arith.addf %parallel_loop3A_332, %parallel_loop3A_328 : vector<16xf32>
      %parallel_loop3A_334 = arith.index_cast %parallel_loop3A_244 : i32 to index
      %parallel_loop3A_335 = arith.constant 80 : index
      %parallel_loop3A_336 = tpu.vector_load %arg9[%parallel_loop3A_334, %parallel_loop3A_335] {strides = array<i32>} : memref<512x128xf32, #tpu.memory_space<vmem>>, vector<1x16xf32>,
      %parallel_loop3A_337 = vector.shape_cast %parallel_loop3A_336 : vector<1x16xf32> to vector<16xf32>
      %parallel_loop3A_338 = vector.shape_cast %parallel_loop3A_333 : vector<16xf32> to vector<1x16xf32>
      tpu.vector_store %arg9[%parallel_loop3A_334, %parallel_loop3A_335], %parallel_loop3A_338 {strides = array<i32>} : memref<512x128xf32, #tpu.memory_space<vmem>>, vector<1x16xf32>,
      %parallel_loop3A_339 = arith.constant 96 : i32
      %parallel_loop3A_340 = arith.addi %parallel_loop3A_248, %parallel_loop3A_339 : i32
      %parallel_loop3A_341 = arith.index_cast %parallel_loop3A_340 : i32 to index
      %parallel_loop3A_342 = tpu.vector_load %arg7[%parallel_loop3A_341] {strides = array<i32>} : memref<1024xf32, #tpu.memory_space<vmem>>, vector<16xf32>,
      %parallel_loop3A_343 = vector.shape_cast %parallel_loop3A_342 : vector<16xf32> to vector<16xf32>
      %parallel_loop3A_344 = arith.index_cast %parallel_loop3A_244 : i32 to index
      %parallel_loop3A_345 = arith.constant 96 : index
      %parallel_loop3A_346 = tpu.vector_load %arg9[%parallel_loop3A_344, %parallel_loop3A_345] {strides = array<i32>} : memref<512x128xf32, #tpu.memory_space<vmem>>, vector<1x16xf32>,
      %parallel_loop3A_347 = vector.shape_cast %parallel_loop3A_346 : vector<1x16xf32> to vector<16xf32>
      %parallel_loop3A_348 = arith.addf %parallel_loop3A_347, %parallel_loop3A_343 : vector<16xf32>
      %parallel_loop3A_349 = arith.index_cast %parallel_loop3A_244 : i32 to index
      %parallel_loop3A_350 = arith.constant 96 : index
      %parallel_loop3A_351 = tpu.vector_load %arg9[%parallel_loop3A_349, %parallel_loop3A_350] {strides = array<i32>} : memref<512x128xf32, #tpu.memory_space<vmem>>, vector<1x16xf32>,
      %parallel_loop3A_352 = vector.shape_cast %parallel_loop3A_351 : vector<1x16xf32> to vector<16xf32>
      %parallel_loop3A_353 = vector.shape_cast %parallel_loop3A_348 : vector<16xf32> to vector<1x16xf32>
      tpu.vector_store %arg9[%parallel_loop3A_349, %parallel_loop3A_350], %parallel_loop3A_353 {strides = array<i32>} : memref<512x128xf32, #tpu.memory_space<vmem>>, vector<1x16xf32>,
      %parallel_loop3A_354 = arith.constant 112 : i32
      %parallel_loop3A_355 = arith.addi %parallel_loop3A_248, %parallel_loop3A_354 : i32
      %parallel_loop3A_356 = arith.index_cast %parallel_loop3A_355 : i32 to index
      %parallel_loop3A_357 = tpu.vector_load %arg7[%parallel_loop3A_356] {strides = array<i32>} : memref<1024xf32, #tpu.memory_space<vmem>>, vector<16xf32>,
      %parallel_loop3A_358 = vector.shape_cast %parallel_loop3A_357 : vector<16xf32> to vector<16xf32>
      %parallel_loop3A_359 = arith.index_cast %parallel_loop3A_244 : i32 to index
      %parallel_loop3A_360 = arith.constant 112 : index
      %parallel_loop3A_361 = tpu.vector_load %arg9[%parallel_loop3A_359, %parallel_loop3A_360] {strides = array<i32>} : memref<512x128xf32, #tpu.memory_space<vmem>>, vector<1x16xf32>,
      %parallel_loop3A_362 = vector.shape_cast %parallel_loop3A_361 : vector<1x16xf32> to vector<16xf32>
      %parallel_loop3A_363 = arith.addf %parallel_loop3A_362, %parallel_loop3A_358 : vector<16xf32>
      %parallel_loop3A_364 = arith.index_cast %parallel_loop3A_244 : i32 to index
      %parallel_loop3A_365 = arith.constant 112 : index
      %parallel_loop3A_366 = tpu.vector_load %arg9[%parallel_loop3A_364, %parallel_loop3A_365] {strides = array<i32>} : memref<512x128xf32, #tpu.memory_space<vmem>>, vector<1x16xf32>,
      %parallel_loop3A_367 = vector.shape_cast %parallel_loop3A_366 : vector<1x16xf32> to vector<16xf32>
      %parallel_loop3A_368 = vector.shape_cast %parallel_loop3A_363 : vector<16xf32> to vector<1x16xf32>
      tpu.vector_store %arg9[%parallel_loop3A_364, %parallel_loop3A_365], %parallel_loop3A_368 {strides = array<i32>} : memref<512x128xf32, #tpu.memory_space<vmem>>, vector<1x16xf32>,
    } {sc.loop_unroll_factor = 1 : i64, sc.parallel_access}
    %add3A_77 = arith.constant 256 : i32
    %add3A_78 = arith.addi %mul3A_2, %add3A_77 : i32
    %dma_start3A_79 = arith.constant 256 : i32
    %dma_start3A_80 = arith.constant 0 : i32
    %dma_start3A_81 = tpu.memref_slice %arg9[%dma_start3A_79, %dma_start3A_80] : memref<512x128xf32, #tpu.memory_space<vmem>> -> memref<256x128xf32, #tpu.memory_space<vmem>>
    %dma_start3A_82 = arith.constant 0 : i32
    %dma_start3A_83 = tpu.memref_slice %arg5[%add3A_78, %dma_start3A_82] : memref<16384x128xf32, #tpu.memory_space<hbm>> -> memref<256x128xf32, #tpu.memory_space<hbm>>
    %dma_start3A_84 = arith.constant 0 : i32
    %dma_start3A_85 = tpu.memref_slice %arg5[%add3A_78, %dma_start3A_84] : memref<16384x128xf32, #tpu.memory_space<hbm>> -> memref<256x128xf32, #tpu.memory_space<hbm>>
    %dma_start3A_86 = arith.constant 256 : i32
    %dma_start3A_87 = arith.constant 0 : i32
    %dma_start3A_88 = tpu.memref_slice %arg9[%dma_start3A_86, %dma_start3A_87] : memref<512x128xf32, #tpu.memory_space<vmem>> -> memref<256x128xf32, #tpu.memory_space<vmem>>
    tpu.enqueue_dma source(%dma_start3A_88 : memref<256x128xf32, #tpu.memory_space<vmem>>) target(%dma_start3A_85 : memref<256x128xf32, #tpu.memory_space<hbm>>) target_semaphore(%arg17 : memref<!tpu.dma_semaphore, #tpu.memory_space<semaphore_mem>>)
    %dma_wait3A_89 = arith.constant 0 : i32
    %dma_wait3A_90 = arith.constant 0 : i32
    %dma_wait3A_91 = tpu.memref_slice %arg9[%dma_wait3A_89, %dma_wait3A_90] : memref<512x128xf32, #tpu.memory_space<vmem>> -> memref<256x128xf32, #tpu.memory_space<vmem>>
    %dma_wait3A_92 = arith.constant 0 : i32
    %dma_wait3A_93 = tpu.memref_slice %arg5[%add3A_53, %dma_wait3A_92] : memref<16384x128xf32, #tpu.memory_space<hbm>> -> memref<256x128xf32, #tpu.memory_space<hbm>>
    %dma_wait3A_94 = arith.constant 0 : i32
    %dma_wait3A_95 = tpu.memref_slice %arg5[%add3A_53, %dma_wait3A_94] : memref<16384x128xf32, #tpu.memory_space<hbm>> -> memref<256x128xf32, #tpu.memory_space<hbm>>
    %dma_wait3A_96 = arith.constant 0 : i32
    %dma_wait3A_97 = arith.constant 0 : i32
    %dma_wait3A_98 = tpu.memref_slice %arg9[%dma_wait3A_96, %dma_wait3A_97] : memref<512x128xf32, #tpu.memory_space<vmem>> -> memref<256x128xf32, #tpu.memory_space<vmem>>
    tpu.wait_dma2 semaphore(%arg16 : memref<!tpu.dma_semaphore, #tpu.memory_space<semaphore_mem>>) src(%dma_wait3A_98 : memref<256x128xf32, #tpu.memory_space<vmem>>) dst(%dma_wait3A_95 : memref<256x128xf32, #tpu.memory_space<hbm>>)
    %dma_wait3A_99 = arith.constant 256 : i32
    %dma_wait3A_100 = arith.constant 0 : i32
    %dma_wait3A_101 = tpu.memref_slice %arg9[%dma_wait3A_99, %dma_wait3A_100] : memref<512x128xf32, #tpu.memory_space<vmem>> -> memref<256x128xf32, #tpu.memory_space<vmem>>
    %dma_wait3A_102 = arith.constant 0 : i32
    %dma_wait3A_103 = tpu.memref_slice %arg5[%add3A_78, %dma_wait3A_102] : memref<16384x128xf32, #tpu.memory_space<hbm>> -> memref<256x128xf32, #tpu.memory_space<hbm>>
    %dma_wait3A_104 = arith.constant 0 : i32
    %dma_wait3A_105 = tpu.memref_slice %arg5[%add3A_78, %dma_wait3A_104] : memref<16384x128xf32, #tpu.memory_space<hbm>> -> memref<256x128xf32, #tpu.memory_space<hbm>>
    %dma_wait3A_106 = arith.constant 256 : i32
    %dma_wait3A_107 = arith.constant 0 : i32
    %dma_wait3A_108 = tpu.memref_slice %arg9[%dma_wait3A_106, %dma_wait3A_107] : memref<512x128xf32, #tpu.memory_space<vmem>> -> memref<256x128xf32, #tpu.memory_space<vmem>>
    tpu.wait_dma2 semaphore(%arg17 : memref<!tpu.dma_semaphore, #tpu.memory_space<semaphore_mem>>) src(%dma_wait3A_108 : memref<256x128xf32, #tpu.memory_space<vmem>>) dst(%dma_wait3A_105 : memref<256x128xf32, #tpu.memory_space<hbm>>)
    return
  }
}

</mosaic_0001>

<sc_bundles>
// kernel: kernel.3.cloned.1.call-start
scs
__scs_entry_jumppad:
0x0: {  	(pc) =	sbr.rel $0x88, $3  }
0x1: {  	(tag) =	ssettag $0x0;
	lr =	simm.s32 $0x1  }
0x2: {  	[smem:$0x3F9E] =	sst lr;
	_ =	strace $0xD0000000  }
0x3: {  	_ = 	snop  }
0x4: {  	_ = 	snop  }
0x5: {  	_ = 	snop  }
0x6: {  	_ = 	snop  }
0x7: {  	_ = 	snop  }
__scs_overlays_trampoline_lowered:
0x8: {  	[smem:$0x3FAD] =	sst s0  }
0x9: {  	[smem:$0x3FAE] =	sst s1  }
0xa: {  	[smem:$0x3FAF] =	sst s2  }
0xb: {  	[smem:$0x3FB0] =	sst s3  }
0xc: {  	[smem:$0x3FB1] =	sst s4  }
0xd: {  	[smem:$0x3FB2] =	sst s5  }
0xe: {  	[smem:$0x3FB3] =	sst s6  }
0xf: {  	[smem:$0x3FB4] =	sst s7  }
0x10: {  	[smem:$0x3FB5] =	sst s8  }
0x11: {  	[smem:$0x3FB6] =	sst s9;
	s0 =	simm.s32 @!p0 $0x0  }
0x12: {  	s1 =	sld [smem:$0x3F9C];
	s0 =	simm.s32 @p0 $0x1  }
0x13: {  	[smem:$0x3FB7] =	sst s0;
	s0 =	simm.s32 @!p1 $0x0  }
0x14: {  	s2 =	sld [smem:$0x3F9B];
	s0 =	simm.s32 @p1 $0x1  }
0x15: {  	[smem:$0x3FB8] =	sst s0;
	s0 =	simm.s32 @!p2 $0x0  }
0x16: {  	s3 =	sld [smem:$0x3FDB];
	s0 =	simm.s32 @p2 $0x1  }
0x17: {  	s4 =	simm.s32 $0x1BF5;
	[smem:$0x3FBA] =	sst s0  }
0x18: {  	s0 =	sld [smem:$0x3F9D];
	_ =	swait.ge [sflag:s4], $0x0  }
0x19: {  	s7 =	sld [smem:$0x3F9E]  }
0x1a: {  	s8 =	sadd.s32 $0xFFFFE003, lr  }
0x1b: {  	s9 =	sadd.s32 $0xFFFFFEF7, lr;
	s5 =	simm.s32 $0xFFFFFFFF;
	p2 =	slt.u32 s8, $0xFFFFF086  }
0x1c: {  	p1 =	slt.u32 s9, $0xF7A;
	s5 =	simm.s32 @!p2 $0x0  }
0x1d: {  	s5 =	simm.s32 @p1 $0x1;
	p0 =	seq.s32 s7, s2  }
0x1e: {  	s7 =	smul.u32 @!p0 $0xF7A, s2;
	p2 =	seq.s32 @!p0 s5, $0x0  }
0x1f: {  	s9 =	smul.u32 $0xF7A, s1;
	s8 =	simm.s32 @!p0 $0x1BF5;
	p2 =	por !p2, p0  }
0x20: {  	[sflag:s8] =	ssyncset.s32 @!p0 $0xFFFFF086;
	s6 =	sadd.s32 @!p0 s3, s7;
	s7 =	simm.s32 @!p0 $0x108  }
0x21: {  	s3 =	sadd.s32 s3, s9;
	s6 =	sadd.s32 @!p0 $0x88, s6;
	s7 =	simm.s32 @p2 $0x1082  }
0x22: {  	[simem:s7], [sflag:s8] =	dma.local @!p0 [hbm:s6], $0xF7A  }
0x23: {  	s9 =	sor.u32 $0xD0000000, s2;
	s6 =	simm.s32 $0x108;
	_ =	swait.ge @!p0 [sflag:s8], $0x0  }
0x24: {  	s3 =	sadd.s32 $0x88, s3;
	s6 =	simm.s32 @!p1 $0x1082;
	[sflag:s4] =	ssyncset.s32 $0xFFFFF086  }
0x25: {  	[simem:s6], [sflag:s4] =	dma.local [hbm:s3], $0xF7A  }
0x26: {  	[smem:$0x3F9E] =	sst s1;
	(tag) =	ssettag s2;
	_ =	strace s9  }
0x27: {  	s1 =	sld [smem:$0x3FAE]  }
0x28: {  	s2 =	sld [smem:$0x3FAF]  }
0x29: {  	s4 =	sld [smem:$0x3FB1]  }
0x2a: {  	p0 =	seq.s32 s5, $0x0;
	s5 =	sld [smem:$0x3FB2]  }
0x2b: {  	s6 =	sld [smem:$0x3FB3]  }
0x2c: {  	s7 =	sld [smem:$0x3FB4]  }
0x2d: {  	s3 =	simm.s32 $0x108;
	s8 =	sld [smem:$0x3FB5]  }
0x2e: {  	s3 =	simm.s32 @!p0 $0x1082;
	s9 =	sld [smem:$0x3FB6]  }
0x2f: {  	lr =	sadd.s32 s0, s3;
	s0 =	sld [smem:$0x3FAD]  }
0x30: {  	s3 =	sld [smem:$0x3FB0]  }
0x31: {  	[smem:$0x3FB9] =	sst s10  }
0x32: {  	s10 =	sld [smem:$0x3FB7];
	_ =	sdelay $0x3  }
0x33: {  	p0 =	seq.s32 s10, $0x1;
	s10 =	sld [smem:$0x3FB9];
	_ =	sdelay $0x3  }
0x34: {  	[smem:$0x3FB9] =	sst s10  }
0x35: {  	s10 =	sld [smem:$0x3FB8];
	_ =	sdelay $0x3  }
0x36: {  	p1 =	seq.s32 s10, $0x1;
	s10 =	sld [smem:$0x3FB9];
	_ =	sdelay $0x3  }
0x37: {  	[smem:$0x3FB9] =	sst s10  }
0x38: {  	s10 =	sld [smem:$0x3FBA]  }
0x39: {  	_ = 	snop;
	(pc) =	sbr.ind lr, $3  }
0x3a: {  	_ = 	snop  }
0x3b: {  	_ = 	snop  }
0x3c: {  	p2 =	seq.s32 s10, $0x1;
	s10 =	sld [smem:$0x3FB9]  }
0x3d: {  	_ =	shalt  }
0x3e: {  	_ =	shalt  }
0x3f: {  	_ =	shalt  }
0x40: {  	_ =	shalt  }
0x41: {  	_ =	shalt  }
0x42: {  	_ =	shalt  }
0x43: {  	_ =	shalt  }
0x44: {  	_ =	shalt  }
0x45: {  	_ =	shalt  }
0x46: {  	_ =	shalt  }
0x47: {  	_ =	shalt  }
0x48: {  	_ =	shalt  }
0x49: {  	_ =	shalt  }
0x4a: {  	_ =	shalt  }
0x4b: {  	_ =	shalt  }
0x4c: {  	_ =	shalt  }
0x4d: {  	_ =	shalt  }
0x4e: {  	_ =	shalt  }
0x4f: {  	_ =	shalt  }
0x50: {  	_ =	shalt  }
0x51: {  	_ =	shalt  }
0x52: {  	_ =	shalt  }
0x53: {  	_ =	shalt  }
0x54: {  	_ =	shalt  }
0x55: {  	_ =	shalt  }
0x56: {  	_ =	shalt  }
0x57: {  	_ =	shalt  }
0x58: {  	_ =	shalt  }
0x59: {  	_ =	shalt  }
0x5a: {  	_ =	shalt  }
0x5b: {  	_ =	shalt  }
0x5c: {  	_ =	shalt  }
0x5d: {  	_ =	shalt  }
0x5e: {  	_ =	shalt  }
0x5f: {  	_ =	shalt  }
0x60: {  	_ =	shalt  }
0x61: {  	_ =	shalt  }
0x62: {  	_ =	shalt  }
0x63: {  	_ =	shalt  }
0x64: {  	_ =	shalt  }
0x65: {  	_ =	shalt  }
0x66: {  	_ =	shalt  }
0x67: {  	_ =	shalt  }
0x68: {  	_ =	shalt  }
0x69: {  	_ =	shalt  }
0x6a: {  	_ =	shalt  }
0x6b: {  	_ =	shalt  }
0x6c: {  	_ =	shalt  }
0x6d: {  	_ =	shalt  }
0x6e: {  	_ =	shalt  }
0x6f: {  	_ =	shalt  }
0x70: {  	_ =	shalt  }
0x71: {  	_ =	shalt  }
0x72: {  	_ =	shalt  }
0x73: {  	_ =	shalt  }
0x74: {  	_ =	shalt  }
0x75: {  	_ =	shalt  }
0x76: {  	_ =	shalt  }
0x77: {  	_ =	shalt  }
0x78: {  	_ =	shalt  }
0x79: {  	_ =	shalt  }
0x7a: {  	_ =	shalt  }
0x7b: {  	_ =	shalt  }
0x7c: {  	_ =	shalt  }
0x7d: {  	_ =	shalt  }
0x7e: {  	_ =	shalt  }
0x7f: {  	_ =	shalt  }
0x80: {  	_ =	shalt  }
0x81: {  	_ =	shalt  }
0x82: {  	_ =	shalt  }
0x83: {  	_ =	shalt  }
0x84: {  	_ =	shalt  }
0x85: {  	_ =	shalt  }
0x86: {  	_ =	shalt  }
0x87: {  	_ =	shalt  }
.Lfunc_end0:
.L_simem_size_0:
called_computation_lowered:
.L_overlay_start_0:
0x88: {  	s2 =	sld [smem:$0x3FD9]  }
0x89: {  	s3 =	sld [smem:$0x3FFE];
	_ =	sdelay $0x1  }
0x8a: {  	s1 =	srdreg.scid  }
0x8b: {  	s0 =	sand.u32 $0x1, s1  }
0x8c: {  	s18 =	sshll.u32 s0, $0xA;
	s2 =	sadd.s32 s3, s2  }
0x8d: {  	s2 =	sadd.s32 s2, s18  }
0x8e: {  	[smem:$0x3FC5] =	sst s2  }
0x8f: {  	_ = 	snop  }
0x90: {  	s2 =	sld [smem:$0x3FC9]  }
0x91: {  	s19 =	sld [smem:$0x3FC8]  }
0x92: {  	s4 =	sld [smem:$0x3FC7]  }
0x93: {  	s5 =	sld [smem:$0x3FD0];
	(tm) =	ssettm $0x1  }
0x94: {  	s6 =	sld [smem:$0x3FFB];
	_ =	sdelay $0x3  }
0x95: {  	_ =	strace s6  }
0x96: {  	s6 =	sld [smem:$0x3FFC];
	_ =	sdelay $0x3  }
0x97: {  	_ =	strace s6  }
0x98: {  	s6 =	sld [smem:$0x3FFD];
	_ =	sdelay $0x3  }
0x99: {  	_ =	strace s6  }
0x9a: {  	_ =	strace $0x8FFFFFFF  }
0x9b: {  	s20 =	sld [smem:$0x3FDB];
	_ =	sdelay $0x1  }
0x9c: {  	s7 =	simm.s32 $_scs_section_size  }
0x9d: {  	s8 =	simm.s32 $_size__tile_overlayer_lowered;
	s9 =	simm.s32 $_tile_overlayer_lowered  }
0x9e: {  	s23 =	simm.s32 $0x1BFF;
	s22 =	sshll.u32 s9, $0x1;
	s6 =	sadd.s32 s7, s20  }
0x9f: {  	s10 =	simm.s32 $0x0;
	s21 =	sshll.u32 s8, $0x1;
	s8 =	sadd.s32 s22, s6  }
0xa0: {  	[timem:s10], [sflag:s23] =	dma.local [hbm:s8], s21  }
0xa1: {  	_ =	swait.ge [sflag:s23], s21  }
0xa2: {  	s7 =	ssub.s32 $0x0, s21;
	[sflag:s23] =	ssyncset.done $0x0  }
0xa3: {  	[sflag:s23] =	ssyncadd.s32 s7;
	_ =	sdelay $0x1  }
0xa4: {  	s24 =	simm.s32 $0x1B8B  }
0xa5: {  	_ =	swait.ge [sflag:s24], $0x1  }
0xa6: {  	[sflag:s24] =	ssyncset.done $0x0  }
0xa7: {  	s25 =	simm.s32 $0x1B8E;
	[sflag:s24] =	ssyncadd.s32 $0xFFFFFFFF  }
0xa8: {  	s26 =	simm.s32 $execute0_lowered;
	[smem:$0x3FD2] =	sst s25  }
0xa9: {  	s7 =	sshll.u32 s26, $0x1;
	_ =	strace $0x80000046;
	[dreg:$0x1] =	wrdreg $0xFFFFFFFF  }
0xaa: {  	s28 =	simm.s32 $_size_execute0_lowered;
	s6 =	sadd.s32 s6, s7;
	[dreg:$0x0] =	wrdreg $0x0  }
0xab: {  	s7 =	sshll.u32 s28, $0x1;
	[dreg:$0x2] =	wrdreg s6  }
0xac: {  	[dreg:$0x3] =	wrdreg s7  }
0xad: {  	[dreg:$0x4] =	wrdreg $0xC0  }
0xae: {  	_ =	task [dreg:s10], $0x5FFFF  }
0xaf: {  	[dreg:$0x1] =	wrdreg $0xFFFFFFFF  }
0xb0: {  	[dreg:$0x0] =	wrdreg $0x60  }
0xb1: {  	[dreg:$0x2] =	wrdreg s2  }
0xb2: {  	[dreg:$0x3] =	wrdreg s19  }
0xb3: {  	[dreg:$0x4] =	wrdreg s4  }
0xb4: {  	[dreg:$0x5] =	wrdreg s5  }
0xb5: {  	[dreg:$0x6] =	wrdreg $0x9  }
0xb6: {  	_ =	task.clear_ibuf [dreg:s10], $0x7FFFF;
	_ =	strace $0x90000046  }
0xb7: {  	s29 =	simm.s32 $0x9;
	_ =	strace $0x80000048  }
0xb8: {  	_ =	swait.ge [sflag:s29], $0x1  }
0xb9: {  	[sflag:s29] =	ssyncadd.s32 $0xFFFFFFFF  }
0xba: {  	_ =	strace $0x90000048  }
0xbb: {  	_ =	sfence  }
0xbc: {  	s30 =	sld [smem:$0x0];
	_ =	sdelay $0x2  }
0xbd: {  	s31 =	sshll.u32 s1, $0xD;
	s1 =	sshrl.u32 s1, $0x2  }
0xbe: {  	s3 =	sand.u32 $0x4000, s31;
	s1 =	sadd.s32 s1, s30  }
0xbf: {  	s0 =	sor.u32 s3, s0;
	s1 =	sshll.u32 s1, $0x11  }
0xc0: {  	s0 =	sor.u32 s1, s0  }
0xc1: {  	s0 =	sadd.s32 $0x8F2B, s0  }
0xc2: {  	[sflag:s0] =	ssyncadd.remote.s32 $0x1  }
0xc3: {  	_ =	sfence.sel $0xFFFF  }
0xc4: {  	[dreg:$0x0] =	wrdreg $0xFFFFFFFF;
	(pc) =	sbr.abs _section_cstart, $3  }
0xc5: {  	[dreg:$0x1] =	wrdreg $0xFFFFFFFF  }
0xc6: {  	_ =	task.clear_ibuf [dreg:s10], $0x2FFFF;
	_ =	strace $0x9FFFFFFF  }
0xc7: {  	(tm) =	ssettm $0x7FFFFFFF  }
tec
execute0_lowered:
.L_overlay_start_1:
0x0: {  	(tag) =	ssettag $0x1  }
0x1: {  	s0 =	rddreg [dreg:$0x0]  }
0x2: {  	s4 =	rddreg [dreg:$0x1]  }
0x3: {  	s1 =	rddreg [dreg:$0x2]  }
0x4: {  	s8 =	rddreg [dreg:$0x3];
	s5 =	srdreg.scid  }
0x5: {  	s3 =	simm.s32 $0x0;
	s2 =	stileid.u32;
	s12 =	simm.s32 $0xC680  }
0x6: {  	s13 =	simm.s32 $0x1;
	s14 =	simm.s32 $0x2;
	s15 =	simm.s32 $0x3  }
0x7: {  	s16 =	simm.s32 $0x4;
	s17 =	simm.s32 $0x5;
	s18 =	simm.s32 $0x6  }
0x8: {  	s19 =	simm.s32 $0x0;
	s5 =	sand.u32 $0x1, s5;
	[smem:$0x7FF] =	sst s3  }
0x9: {  	s6 =	sshll.u32 s2, $0xA;
	s7 =	sshll.u32 s5, $0x9;
	s5 =	ssub.s32 $0x2, s5  }
0xa: {  	_ =	strace $0x80000047;
	s6 =	sor.u32 s7, s6;
	s30 =	sshrl.u32 s5, $0x1  }
0xb: {  	s9 =	sshrl.u32 s6, $0x3;
	s10 =	sshll.u32 s6, $0x4;
	s11 =	ssub.s32 s5, s30  }
0xc: {  	s4 =	sadd.s32 s4, s9;
	s31 =	sor.u32 $0x1000, s10;
	s5 =	sadd.s32 s0, s10  }
0xd: {  	s7 =	sadd.s32 s8, s10;
	s9 =	smax.u32 s11, $0x1;
	s10 =	simm.s32 $0x4400  }
0xe: {  	s11 =	simm.s32 $0x4680;
	s6 =	sadd.s32 s0, s31;
	s8 =	sadd.s32 s8, s31  }
.LBB2_1:
0xf: {  	[tilespmem:s3], [sflag:$0x1] =	stream.linear.gather [hbm4b:s1+s3], $0x4000, $0x38;
	[tilespmem:$0x14680] =	vst v63  }
0x10: {  	_ = 	snop  }
0x11: {  	[tilespmem:s10], [sflag:$0x2] =	stream.linear.gather [hbm4b:s4+s3], $0x200, $0x38;
	[tilespmem:$0x14680] =	vst v63  }
0x12: {  	_ = 	snop  }
0x13: {  	[tilespmem:s11], [sflag:$0x3] =	stream.linear.gather [hbm4b:s5+s3], $0x8000, $0x38;
	[tilespmem:$0x14680] =	vst v63  }
0x14: {  	_ = 	snop  }
0x15: {  	[tilespmem:s12], [sflag:$0x4] =	stream.linear.gather [hbm4b:s6+s3], $0x8000, $0x38;
	[tilespmem:$0x14680] =	vst v63  }
0x16: {  	s0 =	simm.s32 $0x0;
	_ =	swait.ge [sflag:s13], $0x4000  }
0x17: {  	s20 =	sand.u32 $0x70, s3;
	s0 =	sand.u32 $0x3FFFF800, s0;
	[sflag:s13] =	ssyncset.done $0x0  }
0x18: {  	s0 =	sor.u32 s20, s0;
	[sflag:s13] =	ssyncadd.s32 $0xFFFFC000  }
0x19: {  	v0 =	vld [tilespmem:s0+$0x0]  }
0x1a: {  	v1 =	vld [tilespmem:s0+$0x80];
	_ =	sdelay $0x1  }
0x1b: {  	v2 =	vld [tilespmem:s0+$0x100];
	_ =	sdelay $0x1  }
0x1c: {  	v3 =	vld [tilespmem:s0+$0x180]  }
0x1d: {  	v0 =	vadd.f32 v1, v0  }
0x1e: {  	v1 =	vld [tilespmem:s0+$0x200]  }
0x1f: {  	v0 =	vadd.f32 v2, v0  }
0x20: {  	v2 =	vld [tilespmem:s0+$0x280]  }
0x21: {  	v0 =	vadd.f32 v3, v0  }
0x22: {  	v3 =	vld [tilespmem:s0+$0x300]  }
0x23: {  	s22 =	simm.s32 $0x100;
	s21 =	simm.s32 $0x10;
	v0 =	vadd.f32 v1, v0  }
0x24: {  	s21 =	sand.u32 $0x70, s21;
	s22 =	sand.u32 $0x3FFFF800, s22;
	v1 =	vld [tilespmem:s0+$0x380]  }
0x25: {  	s22 =	sor.u32 s21, s22;
	v4 =	vld [tilespmem:s0+$0x400];
	v0 =	vadd.f32 v2, v0  }
0x26: {  	v5 =	vld [tilespmem:s22+$0x0]  }
0x27: {  	v2 =	vld [tilespmem:s0+$0x480];
	v0 =	vadd.f32 v3, v0  }
0x28: {  	v3 =	vld [tilespmem:s22+$0x80]  }
0x29: {  	v6 =	vld [tilespmem:s22+$0x100];
	v0 =	vadd.f32 v1, v0  }
0x2a: {  	v1 =	vld [tilespmem:s0+$0x500]  }
0x2b: {  	v7 =	vld [tilespmem:s22+$0x180];
	v0 =	vadd.f32 v4, v0  }
0x2c: {  	v4 =	vld [tilespmem:s0+$0x580]  }
0x2d: {  	v3 =	vadd.f32 v3, v5;
	v5 =	vld [tilespmem:s22+$0x200];
	v0 =	vadd.f32 v2, v0  }
0x2e: {  	v2 =	vld [tilespmem:s0+$0x600]  }
0x2f: {  	v8 =	vld [tilespmem:s0+$0x680];
	v3 =	vadd.f32 v6, v3;
	v0 =	vadd.f32 v1, v0  }
0x30: {  	v6 =	vld [tilespmem:s22+$0x280]  }
0x31: {  	v1 =	vadd.f32 v7, v3;
	v3 =	vld [tilespmem:s22+$0x300];
	v4 =	vadd.f32 v4, v0  }
0x32: {  	v0 =	vld [tilespmem:s0+$0x700]  }
0x33: {  	s23 =	simm.s32 $0x1;
	s28 =	simm.s32 $0x20;
	v7 =	vadd.f32 v5, v1;
	v1 =	vld [tilespmem:s0+$0x780];
	v4 =	vadd.f32 v2, v4  }
0x34: {  	s24 =	simm.s32 $0x2;
	s31 =	simm.s32 $0x200;
	s29 =	simm.s32 $0x3;
	v5 =	vld [tilespmem:s22+$0x380]  }
0x35: {  	s25 =	simm.s32 $0x0;
	s26 =	sand.u32 $0x70, s28;
	s0 =	sand.u32 $0x3FFFF800, s31;
	v2 =	vld [tilespmem:s22+$0x480];
	v6 =	vadd.f32 v6, v7;
	v4 =	vadd.f32 v8, v4  }
.LBB2_2:
0x36: {  	p0 =	sne.s32 s29, $0x3F;
	s0 =	sor.u32 s26, s0;
	v7 =	vld [tilespmem:s22+$0x400]  }
0x37: {  	v8 =	vld [tilespmem:s0+$0x0];
	v3 =	vadd.f32 v3, v6;
	v0 =	vadd.f32 v0, v4  }
0x38: {  	v4 =	vld [tilespmem:s0+$0x80]  }
0x39: {  	v3 =	vadd.f32 v5, v3;
	v5 =	vld [tilespmem:s22+$0x500];
	v0 =	vadd.f32 v1, v0  }
0x3a: {  	s30 =	sshll.u32 s25, $0x4;
	s25 =	smov.u32 s23;
	s23 =	smov.u32 s24;
	v1 =	vld [tilespmem:s0+$0x100]  }
0x3b: {  	s24 =	smov.u32 s29;
	s30 =	sand.u32 $0x3FFFFF80, s30;
	v3 =	vadd.f32 v7, v3;
	v6 =	vld [tilespmem:s22+$0x580];
	v0 =	vmul.f32 $3.125000000e-02, v0  }
0x3c: {  	s30 =	sor.u32 s20, s30;
	s20 =	smov.u32 s21;
	s21 =	smov.u32 s26;
	v7 =	vld [tilespmem:s0+$0x180]  }
0x3d: {  	v4 =	vadd.f32 v4, v8;
	v2 =	vadd.f32 v2, v3;
	v8 =	vld [tilespmem:s22+$0x600];
	[tilespmem:s30+$0x4000] =	vst v0  }
0x3e: {  	v9 =	vld [tilespmem:s0+$0x200]  }
0x3f: {  	v0 =	vadd.f32 v1, v4;
	v1 =	vadd.f32 v5, v2;
	v4 =	vld [tilespmem:s22+$0x680]  }
0x40: {  	v2 =	vld [tilespmem:s0+$0x280]  }
.Ltmp0:
0x41: {  	v5 =	vadd.f32 v7, v0;
	v1 =	vadd.f32 v6, v1;
	v0 =	vld [tilespmem:s22+$0x700];
	(pc) =	sbr.rel @p0 .LBB2_2-.Ltmp0, $4  }
0x42: {  	v3 =	vld [tilespmem:s0+$0x300]  }
0x43: {  	v6 =	vadd.f32 v9, v5;
	v7 =	vadd.f32 v8, v1;
	v1 =	vld [tilespmem:s22+$0x780];
	s22 =	smov.u32 s0  }
0x44: {  	s28 =	sadd.s32 $0x10, s28;
	s0 =	sshll.u32 s29, $0x8;
	v5 =	vld [tilespmem:s22+$0x380]  }
0x45: {  	s26 =	sand.u32 $0x70, s28;
	s29 =	sadd.s32 $0x1, s29;
	s0 =	sand.u32 $0x3FFFF800, s0;
	v6 =	vadd.f32 v2, v6;
	v2 =	vld [tilespmem:s22+$0x480];
	v4 =	vadd.f32 v4, v7  }
0x46: {  	s0 =	sor.u32 s26, s0  }
0x47: {  	v7 =	vld [tilespmem:s0+$0x0]  }
0x48: {  	v8 =	vld [tilespmem:s0+$0x80];
	_ =	sdelay $0x1  }
0x49: {  	v9 =	vld [tilespmem:s0+$0x100];
	_ =	sdelay $0x1  }
0x4a: {  	v10 =	vld [tilespmem:s0+$0x180]  }
0x4b: {  	v7 =	vadd.f32 v8, v7  }
0x4c: {  	v8 =	vld [tilespmem:s0+$0x200]  }
0x4d: {  	v7 =	vadd.f32 v9, v7  }
0x4e: {  	v9 =	vld [tilespmem:s0+$0x280]  }
0x4f: {  	v7 =	vadd.f32 v10, v7  }
0x50: {  	v10 =	vld [tilespmem:s0+$0x300]  }
0x51: {  	v7 =	vadd.f32 v8, v7  }
0x52: {  	v8 =	vld [tilespmem:s0+$0x380]  }
0x53: {  	v11 =	vld [tilespmem:s22+$0x400];
	v7 =	vadd.f32 v9, v7  }
0x54: {  	v3 =	vadd.f32 v3, v6;
	v6 =	vld [tilespmem:s0+$0x400]  }
0x55: {  	v7 =	vadd.f32 v10, v7  }
0x56: {  	v3 =	vadd.f32 v5, v3;
	v5 =	vld [tilespmem:s0+$0x480]  }
0x57: {  	v9 =	vld [tilespmem:s22+$0x500];
	v7 =	vadd.f32 v8, v7  }
0x58: {  	v3 =	vadd.f32 v11, v3;
	v8 =	vld [tilespmem:s0+$0x500]  }
0x59: {  	v10 =	vld [tilespmem:s22+$0x580];
	v6 =	vadd.f32 v6, v7  }
0x5a: {  	v2 =	vadd.f32 v2, v3;
	v3 =	vld [tilespmem:s0+$0x580]  }
0x5b: {  	v7 =	vld [tilespmem:s22+$0x600];
	v5 =	vadd.f32 v5, v6  }
0x5c: {  	v2 =	vadd.f32 v9, v2;
	v6 =	vld [tilespmem:s0+$0x600]  }
0x5d: {  	v9 =	vld [tilespmem:s22+$0x680];
	v5 =	vadd.f32 v8, v5  }
0x5e: {  	v2 =	vadd.f32 v10, v2;
	v8 =	vld [tilespmem:s0+$0x680]  }
0x5f: {  	v10 =	vld [tilespmem:s22+$0x700];
	v3 =	vadd.f32 v3, v5  }
0x60: {  	v2 =	vadd.f32 v7, v2;
	v5 =	vld [tilespmem:s0+$0x700]  }
0x61: {  	v7 =	vld [tilespmem:s22+$0x780];
	v3 =	vadd.f32 v6, v3  }
0x62: {  	v2 =	vadd.f32 v9, v2;
	v6 =	vld [tilespmem:s0+$0x780]  }
0x63: {  	v0 =	vadd.f32 v0, v4;
	v3 =	vadd.f32 v8, v3  }
0x64: {  	v2 =	vadd.f32 v10, v2  }
0x65: {  	v0 =	vadd.f32 v1, v0;
	v1 =	vadd.f32 v5, v3  }
0x66: {  	s29 =	sshll.u32 s25, $0x4;
	v2 =	vadd.f32 v7, v2  }
0x67: {  	s2 =	sshll.u32 s23, $0x4;
	v0 =	vmul.f32 $3.125000000e-02, v0;
	s0 =	sand.u32 $0x3FFFFF80, s29;
	v1 =	vadd.f32 v6, v1  }
0x68: {  	s25 =	sshll.u32 s24, $0x4;
	s23 =	sand.u32 $0x3FFFFF80, s2;
	s0 =	sor.u32 s20, s0;
	v2 =	vmul.f32 $3.125000000e-02, v2  }
0x69: {  	s2 =	sand.u32 $0x3FFFFF80, s25;
	s29 =	sor.u32 s21, s23;
	[tilespmem:s0+$0x4000] =	vst v0;
	v0 =	vmul.f32 $3.125000000e-02, v1  }
0x6a: {  	s21 =	sor.u32 s26, s2;
	[tilespmem:s29+$0x4000] =	vst v2  }
0x6b: {  	[tilespmem:s21+$0x4000] =	vst v0  }
0x6c: {  	_ =	swait.ge [sflag:s14], $0x200  }
0x6d: {  	[sflag:s14] =	ssyncset.done $0x0  }
0x6e: {  	[sflag:s14] =	ssyncadd.s32 $0xFFFFFE00  }
0x6f: {  	_ =	swait.ge [sflag:s15], $0x8000  }
0x70: {  	[sflag:s15] =	ssyncset.done $0x0  }
0x71: {  	s22 =	simm.s32 $0x0;
	[sflag:s15] =	ssyncadd.s32 $0xFFFF8000  }
0x72: {  	v0 =	vld [tilespmem:s22+$0x4400];
	_ =	sdelay $0x4  }
0x73: {  	v0 =	vshll.u32 v0, $0x9  }
0x74: {  	v0 =	vshra.s32 v0, $0x2  }
0x75: {  	(v2sf) =	vpush v0, $0x0;
	_ =	sdelay $0xd  }
0x76: {  	s20 =	simm.s32 $0x4700  }
0x77: {  	v1 =	vld [tilespmem:s20+$0xFFFFFF80];
	s23 =	spop (v2sf)  }
0x78: {  	v2 =	vld [tilespmem:s23+$0x4000];
	_ =	sdelay $0x4  }
0x79: {  	v1 =	vadd.f32 v1, v2;
	_ =	sdelay $0x1  }
0x7a: {  	v2 =	vld [tilespmem:s20+$0xFFFFFF90];
	[tilespmem:s20+$0xFFFFFF80] =	vst v1  }
0x7b: {  	v1 =	vld [tilespmem:s23+$0x4010]  }
0x7c: {  	s24 =	simm.s32 $0x2  }
0x7d: {  	v3 =	vld [tilespmem:s24+$0x4400];
	_ =	sdelay $0x2  }
0x7e: {  	v1 =	vadd.f32 v2, v1;
	_ =	sdelay $0x1  }
0x7f: {  	v3 =	vshll.u32 v3, $0x9;
	v2 =	vld [tilespmem:s20+$0xFFFFFFA0];
	[tilespmem:s20+$0xFFFFFF90] =	vst v1  }
0x80: {  	v1 =	vshra.s32 v3, $0x2;
	v3 =	vld [tilespmem:s23+$0x4020]  }
0x81: {  	(v2sf) =	vpush v1, $0x0;
	_ =	sdelay $0x3  }
0x82: {  	v2 =	vadd.f32 v2, v3;
	_ =	sdelay $0x1  }
0x83: {  	v3 =	vld [tilespmem:s20+$0xFFFFFFB0];
	[tilespmem:s20+$0xFFFFFFA0] =	vst v2  }
0x84: {  	v2 =	vld [tilespmem:s23+$0x4030];
	_ =	sdelay $0x4  }
0x85: {  	s21 =	simm.s32 $0x4800;
	v2 =	vadd.f32 v3, v2  }
0x86: {  	v4 =	vld [tilespmem:s21+$0xFFFFFF80]  }
0x87: {  	v3 =	vld [tilespmem:s20+$0xFFFFFFC0];
	[tilespmem:s20+$0xFFFFFFB0] =	vst v2  }
0x88: {  	s25 =	spop (v2sf);
	v2 =	vld [tilespmem:s23+$0x4040]  }
0x89: {  	v5 =	vld [tilespmem:s25+$0x4000];
	_ =	sdelay $0x3  }
0x8a: {  	v2 =	vadd.f32 v3, v2  }
0x8b: {  	v3 =	vld [tilespmem:s20+$0xFFFFFFD0];
	v4 =	vadd.f32 v4, v5  }
0x8c: {  	v5 =	vld [tilespmem:s21+$0xFFFFFF90];
	[tilespmem:s20+$0xFFFFFFC0] =	vst v2  }
0x8d: {  	[tilespmem:s21+$0xFFFFFF80] =	vst v4;
	v2 =	vld [tilespmem:s23+$0x4050]  }
0x8e: {  	v4 =	vld [tilespmem:s25+$0x4010]  }
0x8f: {  	s26 =	simm.s32 $0x4  }
0x90: {  	v6 =	vld [tilespmem:s26+$0x4400];
	_ =	sdelay $0x1  }
0x91: {  	v2 =	vadd.f32 v3, v2  }
0x92: {  	v3 =	vld [tilespmem:s20+$0xFFFFFFE0];
	v4 =	vadd.f32 v5, v4  }
0x93: {  	v5 =	vld [tilespmem:s21+$0xFFFFFFA0];
	[tilespmem:s20+$0xFFFFFFD0] =	vst v2  }
0x94: {  	(v2sf) =	vpush v0, $0x1;
	v2 =	vshll.u32 v6, $0x9;
	[tilespmem:s21+$0xFFFFFF90] =	vst v4;
	v4 =	vld [tilespmem:s23+$0x4060]  }
0x95: {  	v2 =	vshra.s32 v2, $0x2;
	v0 =	vld [tilespmem:s25+$0x4020]  }
0x96: {  	(v2sf) =	vpush v2, $0x0;
	_ =	sdelay $0x2  }
0x97: {  	v3 =	vadd.f32 v3, v4  }
0x98: {  	v4 =	vld [tilespmem:s20+$0xFFFFFFF0];
	v0 =	vadd.f32 v5, v0  }
0x99: {  	v5 =	vld [tilespmem:s21+$0xFFFFFFB0];
	[tilespmem:s20+$0xFFFFFFE0] =	vst v3  }
0x9a: {  	[tilespmem:s21+$0xFFFFFFA0] =	vst v0;
	v0 =	vld [tilespmem:s23+$0x4070]  }
0x9b: {  	v3 =	vld [tilespmem:s25+$0x4030];
	_ =	sdelay $0x3  }
0x9c: {  	v6 =	vld [tilespmem:s20+$0x0];
	v0 =	vadd.f32 v4, v0  }
0x9d: {  	s22 =	simm.s32 $0x4900;
	v4 =	vld [tilespmem:s21+$0xFFFFFFC0];
	v3 =	vadd.f32 v5, v3  }
0x9e: {  	s23 =	spop (v2sf);
	v5 =	vld [tilespmem:s22+$0xFFFFFF80];
	[tilespmem:s20+$0xFFFFFFF0] =	vst v0  }
0x9f: {  	[tilespmem:s21+$0xFFFFFFB0] =	vst v3;
	v0 =	vld [tilespmem:s23+$0x4000]  }
0xa0: {  	s26 =	spop (v2sf);
	v3 =	vld [tilespmem:s25+$0x4040]  }
0xa1: {  	v7 =	vld [tilespmem:s26+$0x4000];
	_ =	sdelay $0x2  }
0xa2: {  	v8 =	vld [tilespmem:s20+$0x10];
	v0 =	vadd.f32 v6, v0  }
0xa3: {  	v6 =	vld [tilespmem:s21+$0xFFFFFFD0];
	v3 =	vadd.f32 v4, v3  }
0xa4: {  	v4 =	vld [tilespmem:s22+$0xFFFFFF90];
	v5 =	vadd.f32 v5, v7;
	[tilespmem:s20+$0x0] =	vst v0  }
0xa5: {  	[tilespmem:s21+$0xFFFFFFC0] =	vst v3;
	v0 =	vld [tilespmem:s23+$0x4010]  }
0xa6: {  	[tilespmem:s22+$0xFFFFFF80] =	vst v5;
	v3 =	vld [tilespmem:s25+$0x4050]  }
0xa7: {  	v5 =	vld [tilespmem:s26+$0x4010]  }
0xa8: {  	s29 =	simm.s32 $0x6  }
0xa9: {  	v7 =	vld [tilespmem:s29+$0x4400]  }
0xaa: {  	v9 =	vld [tilespmem:s20+$0x20];
	v0 =	vadd.f32 v8, v0  }
0xab: {  	v8 =	vld [tilespmem:s21+$0xFFFFFFE0];
	v3 =	vadd.f32 v6, v3  }
0xac: {  	v6 =	vld [tilespmem:s22+$0xFFFFFFA0];
	v4 =	vadd.f32 v4, v5;
	[tilespmem:s20+$0x10] =	vst v0  }
0xad: {  	[tilespmem:s21+$0xFFFFFFD0] =	vst v3;
	v0 =	vld [tilespmem:s23+$0x4020]  }
0xae: {  	(v2sf) =	vpush v1, $0x1;
	v3 =	vshll.u32 v7, $0x9;
	[tilespmem:s22+$0xFFFFFF90] =	vst v4;
	v4 =	vld [tilespmem:s25+$0x4060]  }
0xaf: {  	v1 =	vshra.s32 v3, $0x2;
	v3 =	vld [tilespmem:s26+$0x4020]  }
0xb0: {  	(v2sf) =	vpush v1, $0x0;
	_ =	sdelay $0x1  }
0xb1: {  	v5 =	vld [tilespmem:s20+$0x30];
	v0 =	vadd.f32 v9, v0  }
0xb2: {  	v7 =	vld [tilespmem:s21+$0xFFFFFFF0];
	v4 =	vadd.f32 v8, v4  }
0xb3: {  	v8 =	vld [tilespmem:s22+$0xFFFFFFB0];
	v3 =	vadd.f32 v6, v3;
	[tilespmem:s20+$0x20] =	vst v0  }
0xb4: {  	[tilespmem:s21+$0xFFFFFFE0] =	vst v4;
	v4 =	vld [tilespmem:s23+$0x4030]  }
0xb5: {  	[tilespmem:s22+$0xFFFFFFA0] =	vst v3;
	v3 =	vld [tilespmem:s25+$0x4070]  }
0xb6: {  	v6 =	vld [tilespmem:s26+$0x4030]  }
0xb7: {  	s31 =	simm.s32 $0x4A00;
	v10 =	vld [tilespmem:s21+$0x0]  }
0xb8: {  	v11 =	vld [tilespmem:s31+$0xFFFFFF80]  }
0xb9: {  	v9 =	vld [tilespmem:s20+$0x40];
	v4 =	vadd.f32 v5, v4  }
0xba: {  	v0 =	vld [tilespmem:s20+$0x60];
	v3 =	vadd.f32 v7, v3  }
0xbb: {  	v5 =	vld [tilespmem:s22+$0xFFFFFFC0];
	v6 =	vadd.f32 v8, v6;
	[tilespmem:s20+$0x30] =	vst v4  }
0xbc: {  	s25 =	spop (v2sf);
	[tilespmem:s21+$0xFFFFFFF0] =	vst v3;
	v4 =	vld [tilespmem:s23+$0x4040]  }
0xbd: {  	[tilespmem:s22+$0xFFFFFFB0] =	vst v6;
	v8 =	vld [tilespmem:s25+$0x4000]  }
0xbe: {  	s30 =	spop (v2sf);
	v12 =	vld [tilespmem:s26+$0x4040]  }
0xbf: {  	v13 =	vld [tilespmem:s30+$0x4000]  }
0xc0: {  	v7 =	vld [tilespmem:s22+$0xFFFFFFD0]  }
0xc1: {  	v3 =	vld [tilespmem:s20+$0x50];
	v4 =	vadd.f32 v9, v4  }
0xc2: {  	v6 =	vld [tilespmem:s21+$0x10];
	v8 =	vadd.f32 v10, v8  }
0xc3: {  	v10 =	vld [tilespmem:s31+$0xFFFFFF90];
	v5 =	vadd.f32 v5, v12;
	[tilespmem:s20+$0x40] =	vst v4  }
0xc4: {  	v9 =	vadd.f32 v11, v13;
	[tilespmem:s21+$0x0] =	vst v8;
	v4 =	vld [tilespmem:s23+$0x4050]  }
0xc5: {  	[tilespmem:s22+$0xFFFFFFC0] =	vst v5;
	v8 =	vld [tilespmem:s25+$0x4010]  }
0xc6: {  	[tilespmem:s31+$0xFFFFFF80] =	vst v9;
	v9 =	vld [tilespmem:s26+$0x4050]  }
0xc7: {  	v11 =	vld [tilespmem:s30+$0x4010]  }
0xc8: {  	s28 =	simm.s32 $0x28;
	s0 =	simm.s32 $0x8;
	s24 =	simm.s32 $0x4A00;
	v5 =	vld [tilespmem:s21+$0x20]  }
.LBB2_4:
0xc9: {  	p0 =	sne.s32 s28, $0x3F8;
	v12 =	vld [tilespmem:s0+$0x4400];
	v3 =	vadd.f32 v3, v4  }
0xca: {  	v4 =	vld [tilespmem:s22+$0xFFFFFFE0];
	v6 =	vadd.f32 v6, v8  }
0xcb: {  	v8 =	vld [tilespmem:s31+$0xFFFFFFA0];
	v7 =	vadd.f32 v7, v9;
	[tilespmem:s20+$0x50] =	vst v3  }
0xcc: {  	v3 =	vadd.f32 v10, v11;
	[tilespmem:s21+$0x10] =	vst v6;
	v6 =	vld [tilespmem:s23+$0x4060]  }
0xcd: {  	[tilespmem:s22+$0xFFFFFFD0] =	vst v7;
	v7 =	vld [tilespmem:s25+$0x4020]  }
0xce: {  	v9 =	vshll.u32 v12, $0x9;
	[tilespmem:s31+$0xFFFFFF90] =	vst v3;
	v3 =	vld [tilespmem:s26+$0x4060];
	(v2sf) =	vpush v2, $0x1;
	v2 =	vmov v1  }
0xcf: {  	v1 =	vshra.s32 v9, $0x2;
	v9 =	vld [tilespmem:s30+$0x4020]  }
0xd0: {  	(v2sf) =	vpush v1, $0x0;
	v10 =	vld [tilespmem:s20+$0x70]  }
0xd1: {  	v11 =	vld [tilespmem:s21+$0x30];
	v0 =	vadd.f32 v0, v6  }
0xd2: {  	v6 =	vld [tilespmem:s22+$0xFFFFFFF0];
	v5 =	vadd.f32 v5, v7  }
0xd3: {  	v7 =	vld [tilespmem:s31+$0xFFFFFFB0];
	v3 =	vadd.f32 v4, v3;
	[tilespmem:s20+$0x60] =	vst v0  }
0xd4: {  	v0 =	vadd.f32 v8, v9;
	[tilespmem:s21+$0x20] =	vst v5;
	v4 =	vld [tilespmem:s23+$0x4070];
	s23 =	smov.u32 s25  }
0xd5: {  	[tilespmem:s22+$0xFFFFFFE0] =	vst v3;
	v3 =	vld [tilespmem:s23+$0x4030]  }
0xd6: {  	[tilespmem:s31+$0xFFFFFFA0] =	vst v0;
	v5 =	vld [tilespmem:s26+$0x4070];
	s26 =	smov.u32 s30  }
0xd7: {  	v8 =	vld [tilespmem:s26+$0x4030]  }
0xd8: {  	v0 =	vld [tilespmem:s21+$0x60]  }
0xd9: {  	v9 =	vld [tilespmem:s21+$0x40];
	v4 =	vadd.f32 v10, v4  }
0xda: {  	v10 =	vld [tilespmem:s22+$0x0];
	v3 =	vadd.f32 v11, v3  }
0xdb: {  	s31 =	sadd.s32 $0x100, s31;
	v11 =	vld [tilespmem:s24+$0xFFFFFFC0];
	v5 =	vadd.f32 v6, v5;
	[tilespmem:s20+$0x70] =	vst v4;
	s20 =	smov.u32 s21;
	s21 =	smov.u32 s22  }
0xdc: {  	s22 =	smov.u32 s24;
	s24 =	smov.u32 s31;
	v4 =	vld [tilespmem:s31+$0xFFFFFF80];
	v6 =	vadd.f32 v7, v8;
	[tilespmem:s20+$0x30] =	vst v3  }
0xdd: {  	[tilespmem:s21+$0xFFFFFFF0] =	vst v5;
	s25 =	spop (v2sf);
	v5 =	vld [tilespmem:s23+$0x4040]  }
0xde: {  	[tilespmem:s22+$0xFFFFFFB0] =	vst v6;
	v8 =	vld [tilespmem:s25+$0x4000]  }
0xdf: {  	s30 =	spop (v2sf);
	v12 =	vld [tilespmem:s26+$0x4040]  }
0xe0: {  	v13 =	vld [tilespmem:s30+$0x4000]  }
0xe1: {  	v3 =	vld [tilespmem:s20+$0x50]  }
0xe2: {  	v6 =	vld [tilespmem:s21+$0x10];
	v5 =	vadd.f32 v9, v5  }
0xe3: {  	v7 =	vld [tilespmem:s22+$0xFFFFFFD0];
	v8 =	vadd.f32 v10, v8  }
0xe4: {  	v10 =	vld [tilespmem:s31+$0xFFFFFF90];
	v9 =	vadd.f32 v11, v12;
	[tilespmem:s20+$0x40] =	vst v5  }
.Ltmp1:
0xe5: {  	v5 =	vadd.f32 v4, v13;
	[tilespmem:s21+$0x0] =	vst v8;
	v4 =	vld [tilespmem:s23+$0x4050];
	(pc) =	sbr.rel @p0 .LBB2_4-.Ltmp1, $4  }
0xe6: {  	[tilespmem:s22+$0xFFFFFFC0] =	vst v9;
	v8 =	vld [tilespmem:s25+$0x4010]  }
0xe7: {  	[tilespmem:s31+$0xFFFFFF80] =	vst v5;
	v9 =	vld [tilespmem:s26+$0x4050]  }
0xe8: {  	v11 =	vld [tilespmem:s30+$0x4010]  }
0xe9: {  	s0 =	sshra.s32 s28, $0x2;
	s28 =	sadd.s32 $0x8, s28;
	v5 =	vld [tilespmem:s21+$0x20]  }
0xea: {  	v12 =	vld [tilespmem:s0+$0x4400];
	_ =	sdelay $0x4  }
0xeb: {  	v12 =	vshll.u32 v12, $0x9  }
0xec: {  	(v2sf) =	vpush v2, $0x1;
	v2 =	vshra.s32 v12, $0x2  }
0xed: {  	(v2sf) =	vpush v2, $0x0;
	_ =	sdelay $0xd  }
0xee: {  	s28 =	sadd.s32 $0x100, s31;
	s29 =	spop (v2sf)  }
0xef: {  	v48 =	vld [tilespmem:s28+$0xFFFFFF80];
	s2 =	spop (v2sf)  }
0xf0: {  	v13 =	vld [tilespmem:s2+$0x4000];
	_ =	sdelay $0x4  }
0xf1: {  	v12 =	vadd.f32 v48, v13;
	_ =	sdelay $0x1  }
0xf2: {  	v49 =	vld [tilespmem:s28+$0xFFFFFF90];
	[tilespmem:s28+$0xFFFFFF80] =	vst v12  }
0xf3: {  	v12 =	vld [tilespmem:s2+$0x4010];
	_ =	sdelay $0x1  }
0xf4: {  	v10 =	vadd.f32 v10, v11;
	_ =	sdelay $0x1  }
0xf5: {  	v11 =	vld [tilespmem:s31+$0xFFFFFFA0];
	[tilespmem:s31+$0xFFFFFF90] =	vst v10  }
0xf6: {  	v50 =	vld [tilespmem:s30+$0x4020];
	v10 =	vadd.f32 v49, v12;
	_ =	sdelay $0x1  }
0xf7: {  	v51 =	vld [tilespmem:s28+$0xFFFFFFA0];
	[tilespmem:s28+$0xFFFFFF90] =	vst v10  }
0xf8: {  	v10 =	vld [tilespmem:s2+$0x4020];
	_ =	sdelay $0x1  }
0xf9: {  	v11 =	vadd.f32 v11, v50;
	_ =	sdelay $0x1  }
0xfa: {  	v52 =	vld [tilespmem:s31+$0xFFFFFFB0];
	[tilespmem:s31+$0xFFFFFFA0] =	vst v11  }
0xfb: {  	v11 =	vld [tilespmem:s30+$0x4030];
	v10 =	vadd.f32 v51, v10;
	_ =	sdelay $0x1  }
0xfc: {  	v53 =	vld [tilespmem:s28+$0xFFFFFFB0];
	[tilespmem:s28+$0xFFFFFFA0] =	vst v10  }
0xfd: {  	v10 =	vld [tilespmem:s2+$0x4030];
	_ =	sdelay $0x1  }
0xfe: {  	v11 =	vadd.f32 v52, v11;
	_ =	sdelay $0x1  }
0xff: {  	v54 =	vld [tilespmem:s24+$0xFFFFFFC0];
	[tilespmem:s24+$0xFFFFFFB0] =	vst v11  }
0x100: {  	v11 =	vld [tilespmem:s30+$0x4040];
	v10 =	vadd.f32 v53, v10;
	_ =	sdelay $0x1  }
0x101: {  	v55 =	vld [tilespmem:s28+$0xFFFFFFC0];
	[tilespmem:s28+$0xFFFFFFB0] =	vst v10  }
0x102: {  	v10 =	vld [tilespmem:s2+$0x4040];
	_ =	sdelay $0x1  }
0x103: {  	v11 =	vadd.f32 v54, v11;
	_ =	sdelay $0x1  }
0x104: {  	v56 =	vld [tilespmem:s24+$0xFFFFFFD0];
	[tilespmem:s24+$0xFFFFFFC0] =	vst v11  }
0x105: {  	v11 =	vld [tilespmem:s30+$0x4050];
	v10 =	vadd.f32 v55, v10;
	_ =	sdelay $0x1  }
0x106: {  	v57 =	vld [tilespmem:s28+$0xFFFFFFD0];
	[tilespmem:s28+$0xFFFFFFC0] =	vst v10  }
0x107: {  	v7 =	vadd.f32 v7, v9;
	v10 =	vld [tilespmem:s2+$0x4050];
	_ =	sdelay $0x1  }
0x108: {  	v9 =	vld [tilespmem:s22+$0xFFFFFFE0];
	[tilespmem:s22+$0xFFFFFFD0] =	vst v7;
	v11 =	vadd.f32 v56, v11  }
0x109: {  	v58 =	vld [tilespmem:s26+$0x4060]  }
0x10a: {  	v7 =	vld [tilespmem:s24+$0xFFFFFFE0];
	[tilespmem:s24+$0xFFFFFFD0] =	vst v11  }
0x10b: {  	(v2sf) =	vpush v1, $0x1;
	v11 =	vld [tilespmem:s30+$0x4060];
	v10 =	vadd.f32 v57, v10;
	_ =	sdelay $0x1  }
0x10c: {  	v1 =	vld [tilespmem:s28+$0xFFFFFFE0];
	[tilespmem:s28+$0xFFFFFFD0] =	vst v10  }
0x10d: {  	(v2sf) =	vpush v2, $0x1;
	v10 =	vld [tilespmem:s2+$0x4060]  }
0x10e: {  	v2 =	vadd.f32 v9, v58  }
0x10f: {  	v9 =	vld [tilespmem:s22+$0xFFFFFFF0];
	v7 =	vadd.f32 v7, v11  }
0x110: {  	[tilespmem:s22+$0xFFFFFFE0] =	vst v2;
	v2 =	vld [tilespmem:s24+$0xFFFFFFF0]  }
0x111: {  	v11 =	vld [tilespmem:s26+$0x4070];
	[tilespmem:s24+$0xFFFFFFE0] =	vst v7  }
0x112: {  	v7 =	vld [tilespmem:s30+$0x4070];
	v1 =	vadd.f32 v1, v10  }
0x113: {  	v6 =	vadd.f32 v6, v8  }
0x114: {  	v8 =	vld [tilespmem:s28+$0xFFFFFFF0];
	[tilespmem:s28+$0xFFFFFFE0] =	vst v1  }
0x115: {  	[tilespmem:s21+$0x10] =	vst v6;
	v1 =	vld [tilespmem:s2+$0x4070]  }
0x116: {  	v6 =	vld [tilespmem:s25+$0x4020];
	v9 =	vadd.f32 v9, v11  }
0x117: {  	v11 =	vld [tilespmem:s22+$0x0];
	v2 =	vadd.f32 v2, v7  }
0x118: {  	[tilespmem:s22+$0xFFFFFFF0] =	vst v9;
	v7 =	vld [tilespmem:s24+$0x0]  }
0x119: {  	v9 =	vld [tilespmem:s29+$0x4000];
	[tilespmem:s24+$0xFFFFFFF0] =	vst v2;
	s2 =	spop (v2sf)  }
0x11a: {  	v2 =	vld [tilespmem:s2+$0x4000];
	v1 =	vadd.f32 v8, v1  }
0x11b: {  	v5 =	vadd.f32 v5, v6  }
0x11c: {  	v6 =	vld [tilespmem:s28+$0x0];
	s30 =	spop (v2sf);
	[tilespmem:s28+$0xFFFFFFF0] =	vst v1  }
0x11d: {  	[tilespmem:s21+$0x20] =	vst v5;
	v1 =	vld [tilespmem:s30+$0x4000]  }
0x11e: {  	v5 =	vld [tilespmem:s25+$0x4030];
	v8 =	vadd.f32 v11, v9  }
0x11f: {  	v9 =	vld [tilespmem:s22+$0x10];
	v2 =	vadd.f32 v7, v2  }
0x120: {  	v7 =	vld [tilespmem:s24+$0x10];
	[tilespmem:s22+$0x0] =	vst v8  }
0x121: {  	v8 =	vld [tilespmem:s29+$0x4010];
	[tilespmem:s24+$0x0] =	vst v2  }
0x122: {  	v2 =	vld [tilespmem:s2+$0x4010];
	v1 =	vadd.f32 v6, v1  }
0x123: {  	v10 =	vld [tilespmem:s21+$0x30]  }
0x124: {  	v6 =	vld [tilespmem:s28+$0x10];
	[tilespmem:s28+$0x0] =	vst v1  }
0x125: {  	v1 =	vld [tilespmem:s30+$0x4010]  }
0x126: {  	v8 =	vadd.f32 v9, v8  }
0x127: {  	v9 =	vld [tilespmem:s22+$0x20];
	v2 =	vadd.f32 v7, v2  }
0x128: {  	v7 =	vld [tilespmem:s24+$0x20];
	[tilespmem:s22+$0x10] =	vst v8  }
0x129: {  	v8 =	vld [tilespmem:s29+$0x4020];
	[tilespmem:s24+$0x10] =	vst v2  }
0x12a: {  	v2 =	vadd.f32 v10, v5;
	v5 =	vld [tilespmem:s2+$0x4020];
	v1 =	vadd.f32 v6, v1  }
0x12b: {  	v59 =	vld [tilespmem:s21+$0x40]  }
0x12c: {  	v6 =	vld [tilespmem:s28+$0x20];
	[tilespmem:s28+$0x10] =	vst v1  }
0x12d: {  	v1 =	vld [tilespmem:s30+$0x4020]  }
0x12e: {  	v60 =	vld [tilespmem:s22+$0x60];
	v8 =	vadd.f32 v9, v8  }
0x12f: {  	v9 =	vld [tilespmem:s22+$0x30];
	v5 =	vadd.f32 v7, v5  }
0x130: {  	v7 =	vld [tilespmem:s24+$0x30];
	[tilespmem:s22+$0x20] =	vst v8  }
0x131: {  	v8 =	vld [tilespmem:s29+$0x4030];
	[tilespmem:s24+$0x20] =	vst v5  }
0x132: {  	v5 =	vld [tilespmem:s2+$0x4030];
	v1 =	vadd.f32 v6, v1  }
0x133: {  	v61 =	vld [tilespmem:s28+$0x40]  }
0x134: {  	v3 =	vadd.f32 v3, v4;
	v6 =	vld [tilespmem:s28+$0x30];
	[tilespmem:s28+$0x20] =	vst v1  }
0x135: {  	[tilespmem:s21+$0x30] =	vst v2;
	v1 =	vld [tilespmem:s30+$0x4030]  }
0x136: {  	[tilespmem:s20+$0x50] =	vst v3;
	v2 =	vld [tilespmem:s25+$0x4040];
	v8 =	vadd.f32 v9, v8  }
0x137: {  	v3 =	vld [tilespmem:s23+$0x4060];
	v5 =	vadd.f32 v7, v5  }
0x138: {  	v9 =	vld [tilespmem:s22+$0x40];
	[tilespmem:s22+$0x30] =	vst v8  }
0x139: {  	[tilespmem:s24+$0x30] =	vst v5;
	v5 =	vld [tilespmem:s29+$0x4040]  }
0x13a: {  	v8 =	vld [tilespmem:s24+$0x40];
	v1 =	vadd.f32 v6, v1  }
0x13b: {  	v2 =	vadd.f32 v59, v2;
	v6 =	vld [tilespmem:s2+$0x4040]  }
0x13c: {  	v10 =	vld [tilespmem:s21+$0x50];
	[tilespmem:s28+$0x30] =	vst v1  }
0x13d: {  	[tilespmem:s21+$0x40] =	vst v2;
	v1 =	vld [tilespmem:s30+$0x4040]  }
0x13e: {  	v2 =	vadd.f32 v9, v5;
	v5 =	vld [tilespmem:s25+$0x4050]  }
0x13f: {  	v11 =	vld [tilespmem:s21+$0x60]  }
0x140: {  	[tilespmem:s22+$0x40] =	vst v2;
	v2 =	vld [tilespmem:s24+$0x50];
	v6 =	vadd.f32 v8, v6  }
0x141: {  	v8 =	vld [tilespmem:s22+$0x50]  }
0x142: {  	[tilespmem:s24+$0x40] =	vst v6;
	v6 =	vld [tilespmem:s29+$0x4050];
	v1 =	vadd.f32 v61, v1  }
0x143: {  	v5 =	vadd.f32 v10, v5;
	v4 =	vld [tilespmem:s2+$0x4050]  }
0x144: {  	v9 =	vld [tilespmem:s28+$0x50];
	[tilespmem:s28+$0x40] =	vst v1  }
0x145: {  	[tilespmem:s21+$0x50] =	vst v5;
	v1 =	vld [tilespmem:s30+$0x4050]  }
0x146: {  	v5 =	vld [tilespmem:s25+$0x4060]  }
0x147: {  	v7 =	vld [tilespmem:s24+$0x60];
	v6 =	vadd.f32 v8, v6  }
0x148: {  	v8 =	vld [tilespmem:s20+$0x70];
	v2 =	vadd.f32 v2, v4  }
0x149: {  	v0 =	vadd.f32 v0, v3;
	v4 =	vld [tilespmem:s21+$0x70];
	[tilespmem:s22+$0x50] =	vst v6  }
0x14a: {  	v6 =	vld [tilespmem:s29+$0x4060];
	[tilespmem:s24+$0x50] =	vst v2;
	v1 =	vadd.f32 v9, v1  }
0x14b: {  	[tilespmem:s20+$0x60] =	vst v0;
	v3 =	vadd.f32 v11, v5;
	v2 =	vld [tilespmem:s2+$0x4060]  }
0x14c: {  	v5 =	vld [tilespmem:s28+$0x60];
	[tilespmem:s28+$0x50] =	vst v1  }
0x14d: {  	[tilespmem:s21+$0x60] =	vst v3;
	v0 =	vld [tilespmem:s30+$0x4060]  }
0x14e: {  	v3 =	vld [tilespmem:s25+$0x4070]  }
0x14f: {  	v9 =	vld [tilespmem:s22+$0x70];
	v6 =	vadd.f32 v60, v6  }
0x150: {  	v1 =	vld [tilespmem:s23+$0x4070];
	v2 =	vadd.f32 v7, v2  }
0x151: {  	[tilespmem:s22+$0x60] =	vst v6;
	v6 =	vld [tilespmem:s24+$0x70]  }
0x152: {  	v7 =	vld [tilespmem:s29+$0x4070];
	[tilespmem:s24+$0x60] =	vst v2;
	v0 =	vadd.f32 v5, v0  }
0x153: {  	v2 =	vld [tilespmem:s2+$0x4070]  }
0x154: {  	v5 =	vld [tilespmem:s28+$0x70];
	[tilespmem:s28+$0x60] =	vst v0  }
0x155: {  	v0 =	vld [tilespmem:s30+$0x4070]  }
0x156: {  	v1 =	vadd.f32 v8, v1  }
0x157: {  	v3 =	vadd.f32 v4, v3  }
0x158: {  	[tilespmem:s20+$0x70] =	vst v1;
	v1 =	vadd.f32 v9, v7  }
0x159: {  	[tilespmem:s21+$0x70] =	vst v3;
	v2 =	vadd.f32 v6, v2  }
0x15a: {  	[tilespmem:s22+$0x70] =	vst v1;
	v0 =	vadd.f32 v5, v0  }
0x15b: {  	[tilespmem:s24+$0x70] =	vst v2  }
0x15c: {  	s21 =	simm.s32 $0x0;
	[tilespmem:s28+$0x70] =	vst v0  }
0x15d: {  	[hbm4b:s7+s21] =	stream.linear.scatter [tilespmem:s11], [sflag:$0x5], $0x8000, $0x38;
	[tilespmem:$0x14680] =	vst v63  }
0x15e: {  	s23 =	simm.s32 $0x0;
	s22 =	simm.s32 $0x100;
	_ =	swait.ge [sflag:s16], $0x8000  }
0x15f: {  	s20 =	sand.u32 $0x7E, s23;
	s0 =	sand.u32 $0x180, s22;
	[sflag:s16] =	ssyncset.done $0x0  }
0x160: {  	s0 =	sor.u32 s20, s0;
	[sflag:s16] =	ssyncadd.s32 $0xFFFF8000  }
0x161: {  	v0 =	vld [tilespmem:s0+$0x4400];
	_ =	sdelay $0x4  }
0x162: {  	v0 =	vshll.u32 v0, $0x9  }
0x163: {  	v0 =	vshra.s32 v0, $0x2  }
0x164: {  	(v2sf) =	vpush v0, $0x0;
	_ =	sdelay $0xd  }
0x165: {  	s20 =	simm.s32 $0x0  }
0x166: {  	v1 =	vld [tilespmem:s20+$0xC680];
	s0 =	spop (v2sf)  }
0x167: {  	v2 =	vld [tilespmem:s0+$0x4000];
	_ =	sdelay $0x4  }
0x168: {  	v1 =	vadd.f32 v1, v2;
	_ =	sdelay $0x1  }
0x169: {  	s25 =	simm.s32 $0x2;
	s24 =	simm.s32 $0x102;
	v2 =	vld [tilespmem:s20+$0xC690];
	[tilespmem:s20+$0xC680] =	vst v1  }
0x16a: {  	s22 =	sand.u32 $0x7E, s25;
	s21 =	sand.u32 $0x180, s24;
	v1 =	vld [tilespmem:s0+$0x4010]  }
0x16b: {  	s21 =	sor.u32 s22, s21  }
0x16c: {  	v3 =	vld [tilespmem:s21+$0x4400];
	_ =	sdelay $0x2  }
0x16d: {  	v1 =	vadd.f32 v2, v1;
	_ =	sdelay $0x1  }
0x16e: {  	v3 =	vshll.u32 v3, $0x9;
	v2 =	vld [tilespmem:s20+$0xC6A0];
	[tilespmem:s20+$0xC690] =	vst v1  }
0x16f: {  	v3 =	vshra.s32 v3, $0x2;
	v1 =	vld [tilespmem:s0+$0x4020]  }
0x170: {  	(v2sf) =	vpush v3, $0x0;
	_ =	sdelay $0x3  }
0x171: {  	v1 =	vadd.f32 v2, v1;
	_ =	sdelay $0x1  }
0x172: {  	v2 =	vld [tilespmem:s20+$0xC6B0];
	[tilespmem:s20+$0xC6A0] =	vst v1  }
0x173: {  	v1 =	vld [tilespmem:s0+$0x4030];
	_ =	sdelay $0x4  }
0x174: {  	s21 =	simm.s32 $0x100;
	v1 =	vadd.f32 v2, v1  }
0x175: {  	v4 =	vld [tilespmem:s21+$0xC680]  }
0x176: {  	v2 =	vld [tilespmem:s20+$0xC6C0];
	[tilespmem:s20+$0xC6B0] =	vst v1  }
0x177: {  	s24 =	spop (v2sf);
	v1 =	vld [tilespmem:s0+$0x4040]  }
0x178: {  	v5 =	vld [tilespmem:s24+$0x4000];
	_ =	sdelay $0x3  }
0x179: {  	v1 =	vadd.f32 v2, v1  }
0x17a: {  	v4 =	vadd.f32 v4, v5;
	v5 =	vld [tilespmem:s21+$0xC690]  }
0x17b: {  	v2 =	vld [tilespmem:s20+$0xC6D0];
	[tilespmem:s20+$0xC6C0] =	vst v1  }
0x17c: {  	s26 =	simm.s32 $0x104;
	s2 =	simm.s32 $0x4;
	[tilespmem:s21+$0xC680] =	vst v4;
	v1 =	vld [tilespmem:s0+$0x4050]  }
0x17d: {  	s23 =	sand.u32 $0x7E, s2;
	s22 =	sand.u32 $0x180, s26;
	v4 =	vld [tilespmem:s24+$0x4010]  }
0x17e: {  	s22 =	sor.u32 s23, s22  }
0x17f: {  	v6 =	vld [tilespmem:s22+$0x4400];
	_ =	sdelay $0x1  }
0x180: {  	v1 =	vadd.f32 v2, v1  }
0x181: {  	v4 =	vadd.f32 v5, v4;
	v5 =	vld [tilespmem:s21+$0xC6A0]  }
0x182: {  	v2 =	vld [tilespmem:s20+$0xC6E0];
	[tilespmem:s20+$0xC6D0] =	vst v1  }
0x183: {  	(v2sf) =	vpush v0, $0x1;
	[tilespmem:s21+$0xC690] =	vst v4;
	v1 =	vshll.u32 v6, $0x9;
	v4 =	vld [tilespmem:s0+$0x4060]  }
0x184: {  	v0 =	vld [tilespmem:s24+$0x4020];
	v1 =	vshra.s32 v1, $0x2  }
0x185: {  	(v2sf) =	vpush v1, $0x0;
	_ =	sdelay $0x2  }
0x186: {  	v2 =	vadd.f32 v2, v4  }
0x187: {  	v0 =	vadd.f32 v5, v0;
	v5 =	vld [tilespmem:s21+$0xC6B0]  }
0x188: {  	v4 =	vld [tilespmem:s20+$0xC6F0];
	[tilespmem:s20+$0xC6E0] =	vst v2  }
0x189: {  	[tilespmem:s21+$0xC6A0] =	vst v0;
	v0 =	vld [tilespmem:s0+$0x4070]  }
0x18a: {  	v2 =	vld [tilespmem:s24+$0x4030];
	_ =	sdelay $0x3  }
0x18b: {  	s22 =	simm.s32 $0x200;
	v6 =	vld [tilespmem:s20+$0xC700];
	v0 =	vadd.f32 v4, v0  }
0x18c: {  	v2 =	vadd.f32 v5, v2;
	v5 =	vld [tilespmem:s22+$0xC680]  }
0x18d: {  	s23 =	spop (v2sf);
	v4 =	vld [tilespmem:s21+$0xC6C0];
	[tilespmem:s20+$0xC6F0] =	vst v0  }
0x18e: {  	[tilespmem:s21+$0xC6B0] =	vst v2;
	v0 =	vld [tilespmem:s23+$0x4000]  }
0x18f: {  	v2 =	vld [tilespmem:s24+$0x4040];
	s26 =	spop (v2sf)  }
0x190: {  	v7 =	vld [tilespmem:s26+$0x4000];
	_ =	sdelay $0x2  }
0x191: {  	v8 =	vld [tilespmem:s20+$0xC710];
	v0 =	vadd.f32 v6, v0  }
0x192: {  	v2 =	vadd.f32 v4, v2;
	v4 =	vld [tilespmem:s22+$0xC690]  }
0x193: {  	v6 =	vld [tilespmem:s21+$0xC6D0];
	v5 =	vadd.f32 v5, v7;
	[tilespmem:s20+$0xC700] =	vst v0  }
0x194: {  	[tilespmem:s21+$0xC6C0] =	vst v2;
	v0 =	vld [tilespmem:s23+$0x4010]  }
0x195: {  	s2 =	simm.s32 $0x6;
	s25 =	simm.s32 $0x106;
	v2 =	vld [tilespmem:s24+$0x4050];
	[tilespmem:s22+$0xC680] =	vst v5  }
0x196: {  	s0 =	sand.u32 $0x180, s25;
	s25 =	sand.u32 $0x7E, s2;
	v5 =	vld [tilespmem:s26+$0x4010]  }
0x197: {  	s0 =	sor.u32 s25, s0  }
0x198: {  	v7 =	vld [tilespmem:s0+$0x4400]  }
0x199: {  	v9 =	vld [tilespmem:s20+$0xC720];
	v0 =	vadd.f32 v8, v0  }
0x19a: {  	v2 =	vadd.f32 v6, v2;
	v6 =	vld [tilespmem:s22+$0xC6A0]  }
0x19b: {  	v8 =	vld [tilespmem:s21+$0xC6E0];
	v4 =	vadd.f32 v4, v5;
	[tilespmem:s20+$0xC710] =	vst v0  }
0x19c: {  	[tilespmem:s21+$0xC6D0] =	vst v2;
	v0 =	vld [tilespmem:s23+$0x4020]  }
0x19d: {  	(v2sf) =	vpush v3, $0x1;
	v2 =	vshll.u32 v7, $0x9;
	[tilespmem:s22+$0xC690] =	vst v4;
	v4 =	vld [tilespmem:s24+$0x4060]  }
0x19e: {  	v2 =	vshra.s32 v2, $0x2;
	v3 =	vld [tilespmem:s26+$0x4020]  }
0x19f: {  	(v2sf) =	vpush v2, $0x0;
	_ =	sdelay $0x1  }
0x1a0: {  	v5 =	vld [tilespmem:s20+$0xC730];
	v0 =	vadd.f32 v9, v0  }
0x1a1: {  	v7 =	vld [tilespmem:s21+$0xC6F0];
	v4 =	vadd.f32 v8, v4  }
0x1a2: {  	v8 =	vld [tilespmem:s22+$0xC6B0];
	v3 =	vadd.f32 v6, v3;
	[tilespmem:s20+$0xC720] =	vst v0  }
0x1a3: {  	[tilespmem:s21+$0xC6E0] =	vst v4;
	v4 =	vld [tilespmem:s23+$0x4030]  }
0x1a4: {  	[tilespmem:s22+$0xC6A0] =	vst v3;
	v3 =	vld [tilespmem:s24+$0x4070]  }
0x1a5: {  	v6 =	vld [tilespmem:s26+$0x4030]  }
0x1a6: {  	v10 =	vld [tilespmem:s21+$0xC700]  }
0x1a7: {  	v11 =	vld [tilespmem:s22+$0xC6C0]  }
0x1a8: {  	v9 =	vld [tilespmem:s20+$0xC740];
	v4 =	vadd.f32 v5, v4  }
0x1a9: {  	v0 =	vld [tilespmem:s20+$0xC760];
	s24 =	simm.s32 $0x300;
	v3 =	vadd.f32 v7, v3  }
0x1aa: {  	v7 =	vld [tilespmem:s24+$0xC680];
	v5 =	vadd.f32 v8, v6;
	[tilespmem:s20+$0xC730] =	vst v4  }
0x1ab: {  	s25 =	spop (v2sf);
	[tilespmem:s21+$0xC6F0] =	vst v3;
	v4 =	vld [tilespmem:s23+$0x4040]  }
0x1ac: {  	[tilespmem:s22+$0xC6B0] =	vst v5;
	v8 =	vld [tilespmem:s25+$0x4000]  }
0x1ad: {  	s30 =	spop (v2sf);
	v62 =	vld [tilespmem:s26+$0x4040]  }
0x1ae: {  	v63 =	vld [tilespmem:s30+$0x4000]  }
0x1af: {  	v6 =	vld [tilespmem:s22+$0xC6D0]  }
0x1b0: {  	v3 =	vld [tilespmem:s20+$0xC750];
	v4 =	vadd.f32 v9, v4  }
0x1b1: {  	v5 =	vld [tilespmem:s21+$0xC710];
	v8 =	vadd.f32 v10, v8  }
0x1b2: {  	v9 =	vld [tilespmem:s24+$0xC690];
	v10 =	vadd.f32 v11, v62;
	[tilespmem:s20+$0xC740] =	vst v4  }
0x1b3: {  	v11 =	vadd.f32 v7, v63;
	[tilespmem:s21+$0xC700] =	vst v8;
	v4 =	vld [tilespmem:s23+$0x4050]  }
0x1b4: {  	s31 =	simm.s32 $0x1400;
	[tilespmem:s22+$0xC6C0] =	vst v10;
	v7 =	vld [tilespmem:s25+$0x4010]  }
0x1b5: {  	s29 =	simm.s32 $0x1000;
	s28 =	simm.s32 $0x108;
	s0 =	simm.s32 $0x8;
	[tilespmem:s24+$0xC680] =	vst v11;
	v8 =	vld [tilespmem:s26+$0x4050]  }
.LBB2_6:
0x1b6: {  	p0 =	sne.s32 s31, $0x1FC00;
	s2 =	sand.u32 $0x180, s28;
	s0 =	sand.u32 $0x7E, s0;
	v10 =	vld [tilespmem:s30+$0x4010]  }
0x1b7: {  	s0 =	sor.u32 s0, s2;
	v11 =	vld [tilespmem:s21+$0xC720]  }
0x1b8: {  	v12 =	vld [tilespmem:s0+$0x4400];
	v3 =	vadd.f32 v3, v4  }
0x1b9: {  	v4 =	vld [tilespmem:s22+$0xC6E0];
	v5 =	vadd.f32 v5, v7  }
0x1ba: {  	v7 =	vld [tilespmem:s24+$0xC6A0];
	v6 =	vadd.f32 v6, v8;
	[tilespmem:s20+$0xC750] =	vst v3  }
0x1bb: {  	v3 =	vadd.f32 v9, v10;
	[tilespmem:s21+$0xC710] =	vst v5;
	v5 =	vld [tilespmem:s23+$0x4060]  }
0x1bc: {  	[tilespmem:s22+$0xC6D0] =	vst v6;
	v6 =	vld [tilespmem:s25+$0x4020]  }
0x1bd: {  	v8 =	vshll.u32 v12, $0x9;
	[tilespmem:s24+$0xC690] =	vst v3;
	v3 =	vld [tilespmem:s26+$0x4060];
	(v2sf) =	vpush v1, $0x1;
	v1 =	vmov v2  }
0x1be: {  	v2 =	vshra.s32 v8, $0x2;
	v8 =	vld [tilespmem:s30+$0x4020]  }
0x1bf: {  	(v2sf) =	vpush v2, $0x0;
	v9 =	vld [tilespmem:s20+$0xC770]  }
0x1c0: {  	v10 =	vld [tilespmem:s21+$0xC730];
	v0 =	vadd.f32 v0, v5  }
0x1c1: {  	v5 =	vld [tilespmem:s22+$0xC6F0];
	v6 =	vadd.f32 v11, v6  }
0x1c2: {  	v11 =	vld [tilespmem:s24+$0xC6B0];
	v3 =	vadd.f32 v4, v3;
	[tilespmem:s20+$0xC760] =	vst v0  }
0x1c3: {  	v0 =	vadd.f32 v7, v8;
	[tilespmem:s21+$0xC720] =	vst v6;
	v4 =	vld [tilespmem:s23+$0x4070];
	s23 =	smov.u32 s25  }
0x1c4: {  	[tilespmem:s22+$0xC6E0] =	vst v3;
	v3 =	vld [tilespmem:s23+$0x4030]  }
0x1c5: {  	[tilespmem:s24+$0xC6A0] =	vst v0;
	v6 =	vld [tilespmem:s26+$0x4070];
	s26 =	smov.u32 s30  }
0x1c6: {  	v7 =	vld [tilespmem:s26+$0x4030]  }
0x1c7: {  	v0 =	vld [tilespmem:s21+$0xC760]  }
0x1c8: {  	v8 =	vld [tilespmem:s21+$0xC740];
	v4 =	vadd.f32 v9, v4  }
0x1c9: {  	v9 =	vld [tilespmem:s22+$0xC700];
	v3 =	vadd.f32 v10, v3  }
0x1ca: {  	s0 =	sshra.s32 s29, $0x2;
	v10 =	vld [tilespmem:s24+$0xC6C0];
	v5 =	vadd.f32 v5, v6;
	[tilespmem:s20+$0xC770] =	vst v4;
	s20 =	smov.u32 s21;
	s21 =	smov.u32 s22  }
0x1cb: {  	s29 =	smov.u32 s31;
	s22 =	smov.u32 s24;
	s24 =	smov.u32 s0;
	v4 =	vld [tilespmem:s0+$0xC680];
	v6 =	vadd.f32 v11, v7;
	[tilespmem:s20+$0xC730] =	vst v3  }
0x1cc: {  	[tilespmem:s21+$0xC6F0] =	vst v5;
	s25 =	spop (v2sf);
	v7 =	vld [tilespmem:s23+$0x4040]  }
0x1cd: {  	[tilespmem:s22+$0xC6B0] =	vst v6;
	v11 =	vld [tilespmem:s25+$0x4000]  }
0x1ce: {  	s30 =	spop (v2sf);
	v12 =	vld [tilespmem:s26+$0x4040]  }
0x1cf: {  	v13 =	vld [tilespmem:s30+$0x4000]  }
0x1d0: {  	v3 =	vld [tilespmem:s20+$0xC750]  }
0x1d1: {  	v5 =	vld [tilespmem:s21+$0xC710];
	v7 =	vadd.f32 v8, v7  }
.Ltmp2:
0x1d2: {  	v6 =	vld [tilespmem:s22+$0xC6D0];
	v8 =	vadd.f32 v9, v11;
	(pc) =	sbr.rel @p0 .LBB2_6-.Ltmp2, $4  }
0x1d3: {  	v9 =	vld [tilespmem:s24+$0xC690];
	v10 =	vadd.f32 v10, v12;
	[tilespmem:s20+$0xC740] =	vst v7  }
0x1d4: {  	v11 =	vadd.f32 v4, v13;
	[tilespmem:s21+$0xC700] =	vst v8;
	v4 =	vld [tilespmem:s23+$0x4050]  }
0x1d5: {  	s28 =	sadd.s32 $0x2, s28;
	[tilespmem:s22+$0xC6C0] =	vst v10;
	v7 =	vld [tilespmem:s25+$0x4010]  }
0x1d6: {  	s31 =	sadd.s32 $0x400, s31;
	s0 =	sadd.s32 $0xFFFFFF00, s28;
	[tilespmem:s24+$0xC680] =	vst v11;
	v8 =	vld [tilespmem:s26+$0x4050]  }
0x1d7: {  	s2 =	sand.u32 $0x180, s28;
	s0 =	sand.u32 $0x7E, s0  }
0x1d8: {  	s0 =	sor.u32 s0, s2  }
0x1d9: {  	v10 =	vld [tilespmem:s0+$0x4400];
	_ =	sdelay $0x4  }
0x1da: {  	v10 =	vshll.u32 v10, $0x9  }
0x1db: {  	(v2sf) =	vpush v1, $0x1;
	v48 =	vshra.s32 v10, $0x2  }
0x1dc: {  	(v2sf) =	vpush v48, $0x0;
	_ =	sdelay $0xd  }
0x1dd: {  	s28 =	sshra.s32 s29, $0x2;
	s0 =	spop (v2sf)  }
0x1de: {  	v49 =	vld [tilespmem:s28+$0xC680];
	s31 =	spop (v2sf)  }
0x1df: {  	v11 =	vld [tilespmem:s31+$0x4000];
	_ =	sdelay $0x4  }
0x1e0: {  	v10 =	vadd.f32 v49, v11  }
0x1e1: {  	v50 =	vld [tilespmem:s30+$0x4010]  }
0x1e2: {  	v12 =	vld [tilespmem:s28+$0xC690];
	[tilespmem:s28+$0xC680] =	vst v10  }
0x1e3: {  	v10 =	vld [tilespmem:s31+$0x4010];
	_ =	sdelay $0x3  }
0x1e4: {  	v9 =	vadd.f32 v9, v50  }
0x1e5: {  	v51 =	vld [tilespmem:s24+$0xC6A0];
	v52 =	vadd.f32 v12, v10  }
0x1e6: {  	v54 =	vld [tilespmem:s28+$0xC6A0];
	[tilespmem:s24+$0xC690] =	vst v9  }
0x1e7: {  	v53 =	vld [tilespmem:s30+$0x4020];
	[tilespmem:s28+$0xC690] =	vst v52  }
0x1e8: {  	v9 =	vld [tilespmem:s31+$0x4020];
	_ =	sdelay $0x3  }
0x1e9: {  	v10 =	vadd.f32 v51, v53  }
0x1ea: {  	v55 =	vld [tilespmem:s24+$0xC6B0];
	v9 =	vadd.f32 v54, v9  }
0x1eb: {  	v56 =	vld [tilespmem:s28+$0xC6B0];
	[tilespmem:s24+$0xC6A0] =	vst v10  }
0x1ec: {  	v10 =	vld [tilespmem:s30+$0x4030];
	[tilespmem:s28+$0xC6A0] =	vst v9  }
0x1ed: {  	v9 =	vld [tilespmem:s31+$0x4030];
	_ =	sdelay $0x3  }
0x1ee: {  	v10 =	vadd.f32 v55, v10  }
0x1ef: {  	v57 =	vld [tilespmem:s24+$0xC6C0];
	v9 =	vadd.f32 v56, v9  }
0x1f0: {  	v58 =	vld [tilespmem:s28+$0xC6C0];
	[tilespmem:s24+$0xC6B0] =	vst v10  }
0x1f1: {  	v10 =	vld [tilespmem:s30+$0x4040];
	[tilespmem:s28+$0xC6B0] =	vst v9  }
0x1f2: {  	v9 =	vld [tilespmem:s31+$0x4040];
	_ =	sdelay $0x3  }
0x1f3: {  	v10 =	vadd.f32 v57, v10  }
0x1f4: {  	v59 =	vld [tilespmem:s24+$0xC6D0];
	v9 =	vadd.f32 v58, v9  }
0x1f5: {  	v60 =	vld [tilespmem:s28+$0xC6D0];
	[tilespmem:s24+$0xC6C0] =	vst v10  }
0x1f6: {  	v10 =	vld [tilespmem:s30+$0x4050];
	[tilespmem:s28+$0xC6C0] =	vst v9  }
0x1f7: {  	v9 =	vld [tilespmem:s31+$0x4050];
	_ =	sdelay $0x2  }
0x1f8: {  	v61 =	vld [tilespmem:s22+$0xC6E0];
	v6 =	vadd.f32 v6, v8  }
0x1f9: {  	v62 =	vld [tilespmem:s24+$0xC6E0];
	v10 =	vadd.f32 v59, v10  }
0x1fa: {  	v13 =	vld [tilespmem:s28+$0xC6E0];
	[tilespmem:s22+$0xC6D0] =	vst v6;
	v9 =	vadd.f32 v60, v9  }
0x1fb: {  	v63 =	vld [tilespmem:s26+$0x4060];
	[tilespmem:s24+$0xC6D0] =	vst v10  }
0x1fc: {  	(v2sf) =	vpush v2, $0x1;
	v10 =	vld [tilespmem:s30+$0x4060];
	[tilespmem:s28+$0xC6D0] =	vst v9  }
0x1fd: {  	(v2sf) =	vpush v48, $0x1;
	v9 =	vld [tilespmem:s31+$0x4060];
	_ =	sdelay $0x2  }
0x1fe: {  	v15 =	vld [tilespmem:s22+$0xC6F0];
	v8 =	vadd.f32 v61, v63  }
0x1ff: {  	v16 =	vld [tilespmem:s24+$0xC6F0];
	v6 =	vadd.f32 v62, v10  }
0x200: {  	v18 =	vld [tilespmem:s28+$0xC6F0];
	[tilespmem:s22+$0xC6E0] =	vst v8;
	v2 =	vadd.f32 v13, v9  }
0x201: {  	v17 =	vld [tilespmem:s26+$0x4070];
	[tilespmem:s24+$0xC6E0] =	vst v6  }
0x202: {  	v6 =	vld [tilespmem:s30+$0x4070];
	[tilespmem:s28+$0xC6E0] =	vst v2  }
0x203: {  	v2 =	vld [tilespmem:s31+$0x4070];
	_ =	sdelay $0x1  }
0x204: {  	v14 =	vld [tilespmem:s21+$0xC720]  }
0x205: {  	v20 =	vld [tilespmem:s22+$0xC700];
	v10 =	vadd.f32 v15, v17  }
0x206: {  	v21 =	vld [tilespmem:s24+$0xC700];
	v6 =	vadd.f32 v16, v6  }
0x207: {  	v22 =	vld [tilespmem:s28+$0xC700];
	[tilespmem:s22+$0xC6F0] =	vst v10;
	v2 =	vadd.f32 v18, v2  }
0x208: {  	s2 =	spop (v2sf);
	v10 =	vld [tilespmem:s0+$0x4000];
	[tilespmem:s24+$0xC6F0] =	vst v6  }
0x209: {  	v6 =	vld [tilespmem:s2+$0x4000];
	s31 =	spop (v2sf);
	[tilespmem:s28+$0xC6F0] =	vst v2  }
0x20a: {  	v2 =	vld [tilespmem:s31+$0x4000]  }
0x20b: {  	v19 =	vld [tilespmem:s21+$0xC730]  }
0x20c: {  	v24 =	vld [tilespmem:s22+$0xC710];
	v5 =	vadd.f32 v5, v7  }
0x20d: {  	v25 =	vld [tilespmem:s24+$0xC710];
	v23 =	vadd.f32 v20, v10  }
0x20e: {  	v28 =	vld [tilespmem:s28+$0xC710];
	[tilespmem:s21+$0xC710] =	vst v5;
	v6 =	vadd.f32 v21, v6  }
0x20f: {  	v5 =	vld [tilespmem:s25+$0x4020];
	[tilespmem:s22+$0xC700] =	vst v23;
	v2 =	vadd.f32 v22, v2  }
0x210: {  	v26 =	vld [tilespmem:s0+$0x4010];
	[tilespmem:s24+$0xC700] =	vst v6  }
0x211: {  	v27 =	vld [tilespmem:s2+$0x4010];
	[tilespmem:s28+$0xC700] =	vst v2  }
0x212: {  	v2 =	vld [tilespmem:s31+$0x4010]  }
0x213: {  	v29 =	vld [tilespmem:s21+$0xC760]  }
0x214: {  	v31 =	vld [tilespmem:s22+$0xC720];
	v1 =	vadd.f32 v14, v5  }
0x215: {  	v32 =	vld [tilespmem:s24+$0xC720];
	v8 =	vadd.f32 v24, v26  }
0x216: {  	v33 =	vld [tilespmem:s28+$0xC720];
	[tilespmem:s21+$0xC720] =	vst v1;
	v5 =	vadd.f32 v25, v27  }
0x217: {  	v1 =	vld [tilespmem:s25+$0x4030];
	[tilespmem:s22+$0xC710] =	vst v8;
	v2 =	vadd.f32 v28, v2  }
0x218: {  	v8 =	vld [tilespmem:s0+$0x4020];
	[tilespmem:s24+$0xC710] =	vst v5  }
0x219: {  	v5 =	vld [tilespmem:s2+$0x4020];
	[tilespmem:s28+$0xC710] =	vst v2  }
0x21a: {  	v34 =	vld [tilespmem:s31+$0x4020]  }
0x21b: {  	v30 =	vld [tilespmem:s21+$0xC740]  }
0x21c: {  	v36 =	vld [tilespmem:s21+$0xC750];
	v1 =	vadd.f32 v19, v1  }
0x21d: {  	v37 =	vld [tilespmem:s22+$0xC730];
	v8 =	vadd.f32 v31, v8  }
0x21e: {  	v38 =	vld [tilespmem:s24+$0xC730];
	[tilespmem:s21+$0xC730] =	vst v1;
	v5 =	vadd.f32 v32, v5  }
0x21f: {  	v39 =	vld [tilespmem:s28+$0xC730];
	[tilespmem:s22+$0xC720] =	vst v8;
	v1 =	vadd.f32 v33, v34  }
0x220: {  	v8 =	vld [tilespmem:s0+$0x4030];
	[tilespmem:s24+$0xC720] =	vst v5  }
0x221: {  	v5 =	vld [tilespmem:s2+$0x4030];
	[tilespmem:s28+$0xC720] =	vst v1  }
0x222: {  	v1 =	vld [tilespmem:s31+$0x4030]  }
0x223: {  	v40 =	vld [tilespmem:s22+$0xC740]  }
0x224: {  	v41 =	vld [tilespmem:s24+$0xC760]  }
0x225: {  	v42 =	vld [tilespmem:s24+$0xC740];
	v8 =	vadd.f32 v37, v8  }
0x226: {  	v35 =	vld [tilespmem:s25+$0x4040];
	v5 =	vadd.f32 v38, v5  }
0x227: {  	v45 =	vld [tilespmem:s28+$0xC740];
	[tilespmem:s22+$0xC730] =	vst v8;
	v1 =	vadd.f32 v39, v1  }
0x228: {  	v3 =	vadd.f32 v3, v4;
	v43 =	vld [tilespmem:s0+$0x4040];
	[tilespmem:s24+$0xC730] =	vst v5  }
0x229: {  	v44 =	vld [tilespmem:s2+$0x4040];
	[tilespmem:s28+$0xC730] =	vst v1  }
0x22a: {  	[tilespmem:s20+$0xC750] =	vst v3;
	v1 =	vld [tilespmem:s31+$0x4040]  }
0x22b: {  	v3 =	vld [tilespmem:s23+$0x4060];
	v2 =	vadd.f32 v30, v35  }
0x22c: {  	v48 =	vld [tilespmem:s22+$0xC750]  }
0x22d: {  	v49 =	vld [tilespmem:s24+$0xC750];
	[tilespmem:s21+$0xC740] =	vst v2;
	v46 =	vadd.f32 v40, v43  }
0x22e: {  	v47 =	vld [tilespmem:s25+$0x4050];
	v6 =	vadd.f32 v42, v44  }
0x22f: {  	v52 =	vld [tilespmem:s28+$0xC750];
	[tilespmem:s22+$0xC740] =	vst v46;
	v1 =	vadd.f32 v45, v1  }
0x230: {  	v50 =	vld [tilespmem:s0+$0x4050];
	[tilespmem:s24+$0xC740] =	vst v6  }
0x231: {  	v51 =	vld [tilespmem:s2+$0x4050];
	[tilespmem:s28+$0xC740] =	vst v1  }
0x232: {  	v1 =	vld [tilespmem:s31+$0x4050]  }
0x233: {  	v53 =	vld [tilespmem:s20+$0xC770];
	v5 =	vadd.f32 v36, v47  }
0x234: {  	v54 =	vld [tilespmem:s21+$0xC770]  }
0x235: {  	v56 =	vld [tilespmem:s28+$0xC760];
	[tilespmem:s21+$0xC750] =	vst v5;
	v6 =	vadd.f32 v48, v50  }
0x236: {  	v5 =	vld [tilespmem:s25+$0x4060];
	v2 =	vadd.f32 v49, v51  }
0x237: {  	v13 =	vld [tilespmem:s22+$0xC760];
	[tilespmem:s22+$0xC750] =	vst v6;
	v1 =	vadd.f32 v52, v1  }
0x238: {  	v0 =	vadd.f32 v0, v3;
	v6 =	vld [tilespmem:s0+$0x4060];
	[tilespmem:s24+$0xC750] =	vst v2  }
0x239: {  	v2 =	vld [tilespmem:s2+$0x4060];
	[tilespmem:s28+$0xC750] =	vst v1  }
0x23a: {  	[tilespmem:s20+$0xC760] =	vst v0;
	v57 =	vld [tilespmem:s31+$0x4060]  }
0x23b: {  	v58 =	vld [tilespmem:s23+$0x4070];
	v55 =	vadd.f32 v29, v5  }
0x23c: {  	v59 =	vld [tilespmem:s22+$0xC770]  }
0x23d: {  	v60 =	vld [tilespmem:s24+$0xC770];
	[tilespmem:s21+$0xC760] =	vst v55;
	v6 =	vadd.f32 v13, v6  }
0x23e: {  	v3 =	vld [tilespmem:s25+$0x4070];
	v2 =	vadd.f32 v41, v2  }
0x23f: {  	v62 =	vld [tilespmem:s28+$0xC770];
	[tilespmem:s22+$0xC760] =	vst v6;
	v0 =	vadd.f32 v56, v57  }
0x240: {  	v61 =	vld [tilespmem:s0+$0x4070];
	[tilespmem:s24+$0xC760] =	vst v2  }
0x241: {  	v2 =	vld [tilespmem:s2+$0x4070];
	[tilespmem:s28+$0xC760] =	vst v0  }
0x242: {  	v0 =	vld [tilespmem:s31+$0x4070]  }
0x243: {  	v3 =	vadd.f32 v54, v3  }
0x244: {  	v1 =	vadd.f32 v53, v58  }
0x245: {  	[tilespmem:s21+$0xC770] =	vst v3;
	v63 =	vadd.f32 v59, v61  }
0x246: {  	[tilespmem:s20+$0xC770] =	vst v1;
	v2 =	vadd.f32 v60, v2  }
0x247: {  	[tilespmem:s22+$0xC770] =	vst v63;
	v0 =	vadd.f32 v62, v0  }
0x248: {  	[tilespmem:s24+$0xC770] =	vst v2  }
0x249: {  	s19 =	sadd.s32 $0x1, s19;
	[tilespmem:s28+$0xC770] =	vst v0  }
0x24a: {  	[hbm4b:s8+s3] =	stream.linear.scatter [tilespmem:s12], [sflag:$0x6], $0x8000, $0x38;
	[tilespmem:$0x14680] =	vst v63  }
0x24b: {  	p0 =	sne.s32 s19, s9;
	_ =	swait.ge [sflag:s17], $0x8000  }
.Ltmp3:
0x24c: {  	[sflag:s17] =	ssyncset.done $0x0;
	(pc) =	sbr.rel @p0 .LBB2_1-.Ltmp3, $4  }
0x24d: {  	[sflag:s17] =	ssyncadd.s32 $0xFFFF8000  }
0x24e: {  	_ =	swait.ge [sflag:s18], $0x8000  }
0x24f: {  	[sflag:s18] =	ssyncset.done $0x0  }
0x250: {  	[sflag:s18] =	ssyncadd.s32 $0xFFFF8000  }
0x251: {  	_ =	sfence.sel $0x180000  }
0x252: {  	[bflag:$0x0] =	sbarrier.arrive $0xFFFF  }
0x253: {  	_ =	strace $0x90000047  }
0x254: {  	s0 =	stileid.u32;
	[bflag:$0x2] =	sbarrier.arrive $0xFFFF  }
0x255: {  	p0 =	sne.s32 s0, $0x0;
	s0 =	rddreg [dreg:$0x4]  }
0x256: {  	s0 =	sadd.s32 @!p0 $0x100000, s0  }
0x257: {  	[sflag:s0] =	ssyncadd.tile.s32 @!p0 $0x1;
	_ =	shalt  }
.Lfunc_end2:
_tile_overlayer_lowered:
.L_overlay_start_2:
0x258: {  	(tag) =	ssettag $0x2  }
0x259: {  	s0 =	rddreg [dreg:$0x0];
	s2 =	stileid.u32  }
0x25a: {  	s1 =	rddreg [dreg:$0x1];
	p0 =	sne.s32 s2, $0x0  }
0x25b: {  	s3 =	rddreg [dreg:$0x2];
	[bflag:$0x3] =	sbarrier.arrive $0xFFFF;
	s2 =	simm.s32 @!p0 $0x1C07  }
0x25c: {  	[timem:s3], [sflag:s2] =	dma.local @!p0 [hbm:s0], s1  }
0x25d: {  	s0 =	simm.s32 @!p0 $0x7  }
0x25e: {  	_ =	swait.ge @!p0 [sflag:s0], s1  }
0x25f: {  	s1 =	ssub.s32 @!p0 $0x0, s1;
	[sflag:s0] =	ssyncset.done @!p0 $0x0  }
0x260: {  	[sflag:s0] =	ssyncadd.s32 @!p0 s1  }
0x261: {  	[bflag:$0x3] =	sbarrier.arrive $0xFFFF  }
0x262: {  	_ =	shalt  }

</sc_bundles>
